<compile_context>
chip_gen: v7x
topology: tpu7x:2x2x1
jax: 0.10.2.dev20260603
libtpu: 0.0.44.dev20260713+nightly
codegen_flags: <defaults>
</compile_context>

<pallas_src>
import functools

import jax
import jax.numpy as jnp
from jax import lax
from jax.experimental import pallas as pl
from jax.experimental.pallas import tpu as pltpu
from jax.experimental.pallas import tpu_sc as plsc

N = 10000
E = 320000
F = 128
NCLASS = 40

NC = 2
NS = 16
W = 125
EPT = E // (NC * NS)
WPT = EPT // W
SGRP = 2
NGRP = WPT // SGRP
SUPER = NGRP // 2
NPAD = 10240
RPT = NPAD // NS
ZR = 16

_mesh = plsc.VectorSubcoreMesh(core_axis_name="c", subcore_axis_name="s")


def _zero_vmem_2d(ref, nrows, ncols):
    z16 = jnp.zeros((16,), jnp.float32)

    @pl.loop(0, nrows)
    def _(r):
        @pl.loop(0, ncols, step=16)
        def _(col):
            ref[r, pl.ds(col, 16)] = z16


def _fill_ones(ref, n):
    o16 = jnp.ones((16,), jnp.float32)

    @pl.loop(0, n - 15, step=16)
    def _(i):
        ref[pl.ds(i, 16)] = o16

    ref[pl.ds(n - 16, 16)] = o16


def _zero_vmem_1d(ref, n):
    z16 = jnp.zeros((16,), jnp.float32)

    @pl.loop(0, n, step=16)
    def _(i):
        ref[pl.ds(i, 16)] = z16


@jax.jit
def _sc_degrees(srcg, dstg):

    @functools.partial(
        pl.kernel,
        out_type=(
            jax.ShapeDtypeStruct((NC * NPAD,), jnp.float32),
            jax.ShapeDtypeStruct((NC * NPAD,), jnp.float32),
        ),
        mesh=_mesh,
        scratch_types=(
            [pltpu.VMEM((SGRP, W), jnp.int32)] * 4
            + [
                pltpu.VMEM((128,), jnp.float32),
                pltpu.VMEM((RPT,), jnp.float32),
                pltpu.VMEM_SHARED((NPAD,), jnp.float32),
                pltpu.VMEM_SHARED((NPAD,), jnp.float32),
            ]
            + [pltpu.SemaphoreType.DMA] * 5
        ),
    )
    def k(srcg_hbm, dstg_hbm, do_hbm, di_hbm, sb0, sb1, db0, db1, ones_v, zb,
          do_sh, di_sh, is0, is1, id0, id1, dsem):
        sb = (sb0, sb1)
        db = (db0, db1)
        isem_s = (is0, is1)
        isem_d = (id0, id1)
        cid = lax.axis_index("c")
        sid = lax.axis_index("s")
        wid = cid * NS + sid
        rowbase = wid * NGRP

        _zero_vmem_1d(zb, RPT)
        pltpu.sync_copy(zb, do_sh.at[pl.ds(sid * RPT, RPT)])
        pltpu.sync_copy(zb, di_sh.at[pl.ds(sid * RPT, RPT)])

        _fill_ones(ones_v, 128)
        ones_w = ones_v.at[pl.ds(0, W)]

        pltpu.sync_copy(srcg_hbm.at[rowbase], sb[0])
        pltpu.sync_copy(dstg_hbm.at[rowbase], db[0])
        pltpu.sync_copy(srcg_hbm.at[rowbase + 1], sb[1])
        pltpu.sync_copy(dstg_hbm.at[rowbase + 1], db[1])

        plsc.subcore_barrier()

        @pl.loop(0, SUPER)
        def _(s):
            for phase in range(2):
                r = s * 2 + phase

                @pl.when(r >= 2)
                def _():
                    pltpu.make_async_copy(srcg_hbm.at[rowbase], sb[phase],
                                          isem_s[phase]).wait()
                    pltpu.make_async_copy(dstg_hbm.at[rowbase], db[phase],
                                          isem_d[phase]).wait()

                for j in range(SGRP):
                    pltpu.async_copy(ones_w, do_sh.at[sb[phase].at[j]], dsem,
                                     add=True)
                    pltpu.async_copy(ones_w, di_sh.at[db[phase].at[j]], dsem,
                                     add=True)
                for _j in range(2 * SGRP):
                    pltpu.make_async_copy(ones_w, do_sh.at[sb[0].at[0]],
                                          dsem).wait()

                @pl.when(r + 2 < NGRP)
                def _():
                    pltpu.async_copy(srcg_hbm.at[rowbase + r + 2], sb[phase],
                                     isem_s[phase])
                    pltpu.async_copy(dstg_hbm.at[rowbase + r + 2], db[phase],
                                     isem_d[phase])

        plsc.subcore_barrier()

        base = cid * NPAD + sid * RPT
        pltpu.sync_copy(do_sh.at[pl.ds(sid * RPT, RPT)], do_hbm.at[pl.ds(base, RPT)])
        pltpu.sync_copy(di_sh.at[pl.ds(sid * RPT, RPT)], di_hbm.at[pl.ds(base, RPT)])

    return k(srcg, dstg)


@jax.jit
def _sc_spmm(srcg, dstg, hs):

    @functools.partial(
        pl.kernel,
        out_type=jax.ShapeDtypeStruct((NC * NPAD, F), jnp.float32),
        mesh=_mesh,
        scratch_types=(
            [pltpu.VMEM((SGRP, W), jnp.int32)] * 4
            + [pltpu.VMEM((W, F), jnp.float32)] * SGRP
            + [
                pltpu.VMEM((ZR, F), jnp.float32),
                pltpu.VMEM_SHARED((NPAD, F), jnp.float32),
            ]
            + [pltpu.SemaphoreType.DMA] * (5 + 2 * SGRP)
        ),
    )
    def k(srcg_hbm, dstg_hbm, hs_hbm, out_hbm, *rest):
        sb = rest[0:2]
        db = rest[2:4]
        rows = rest[4:4 + SGRP]
        zb = rest[4 + SGRP]
        agg_sh = rest[5 + SGRP]
        sems = rest[6 + SGRP:]
        isem_s = sems[0:2]
        isem_d = sems[2:4]
        zsem = sems[4]
        gsem = sems[5:5 + SGRP]
        ssem = sems[5 + SGRP:]

        cid = lax.axis_index("c")
        sid = lax.axis_index("s")
        wid = cid * NS + sid
        rowbase = wid * NGRP

        _zero_vmem_2d(zb, ZR, F)

        @pl.loop(0, 2)
        def _(b):
            for kk in range(20):
                pltpu.async_copy(
                    zb, agg_sh.at[pl.ds(sid * RPT + (b * 20 + kk) * ZR, ZR)],
                    zsem)
            for _kk in range(20):
                pltpu.make_async_copy(zb, agg_sh.at[pl.ds(sid * RPT, ZR)],
                                      zsem).wait()

        pltpu.sync_copy(srcg_hbm.at[rowbase], sb[0])
        pltpu.sync_copy(dstg_hbm.at[rowbase], db[0])
        pltpu.sync_copy(srcg_hbm.at[rowbase + 1], sb[1])
        pltpu.sync_copy(dstg_hbm.at[rowbase + 1], db[1])

        def gather(slot, idx_ref):
            pltpu.async_copy(hs_hbm.at[idx_ref], rows[slot], gsem[slot])

        def gather_wait(slot):
            pltpu.make_async_copy(hs_hbm.at[sb[0].at[0]], rows[slot],
                                  gsem[slot]).wait()

        def scatter(slot, idx_ref):
            pltpu.async_copy(rows[slot], agg_sh.at[idx_ref], ssem[slot],
                             add=True)

        def scatter_wait(slot):
            pltpu.make_async_copy(rows[slot], agg_sh.at[db[0].at[0]],
                                  ssem[slot]).wait()

        def idx_prefetch(phase, grp):
            pltpu.async_copy(srcg_hbm.at[rowbase + grp], sb[phase],
                             isem_s[phase])
            pltpu.async_copy(dstg_hbm.at[rowbase + grp], db[phase],
                             isem_d[phase])

        def idx_wait_src(phase):
            pltpu.make_async_copy(srcg_hbm.at[rowbase], sb[phase],
                                  isem_s[phase]).wait()

        def idx_wait_dst(phase):
            pltpu.make_async_copy(dstg_hbm.at[rowbase], db[phase],
                                  isem_d[phase]).wait()

        plsc.subcore_barrier()

        for j in range(SGRP):
            gather(j, sb[0].at[j])

        @pl.loop(0, SUPER)
        def _(s):
            for phase in range(2):
                r = s * 2 + phase
                @pl.when(r >= 2)
                def _():
                    idx_wait_dst(phase)

                for j in range(SGRP):
                    gather_wait(j)
                    scatter(j, db[phase].at[j])
                @pl.when(jnp.logical_and(r >= 1, r + 1 < NGRP))
                def _():
                    idx_wait_src(1 - phase)

                for j in range(SGRP):
                    scatter_wait(j)

                    @pl.when(r + 1 < NGRP)
                    def _():
                        gather(j, sb[1 - phase].at[j])

                @pl.when(r + 2 < NGRP)
                def _():
                    idx_prefetch(phase, r + 2)

        plsc.subcore_barrier()

        base = cid * NPAD + sid * RPT
        pltpu.sync_copy(agg_sh.at[pl.ds(sid * RPT, RPT)],
                        out_hbm.at[pl.ds(base, RPT)])

    return k(srcg, dstg, hs)


def _norm(deg2):
    d = deg2[0] + deg2[1]
    return jnp.where(d > 0.0, lax.rsqrt(jnp.maximum(d, 1.0)), 0.0)


def _tc_matmul_scale_body(x_ref, w_ref, dego_ref, o_ref):
    ns = _norm(dego_ref[...])
    h = jnp.dot(x_ref[...], w_ref[...], preferred_element_type=jnp.float32)
    o_ref[...] = h * ns


def _tc_mid_body(p_ref, degi_ref, dego_ref, b0_ref, w1_ref, o_ref):
    agg = p_ref[0] + p_ref[1]
    nd = _norm(degi_ref[...])
    t = jax.nn.relu(agg * nd + b0_ref[...])
    ns = _norm(dego_ref[...])
    o_ref[...] = jnp.dot(t, w1_ref[...], preferred_element_type=jnp.float32) * ns


def _tc_final_body(q_ref, degi_ref, b1_ref, wo_ref, bo_ref, o_ref):
    agg = q_ref[0] + q_ref[1]
    nd = _norm(degi_ref[...])
    u = jax.nn.relu(agg * nd + b1_ref[...])
    logits = jnp.dot(u, wo_ref[...], preferred_element_type=jnp.float32) + bo_ref[...]
    m = jnp.max(logits, axis=1, keepdims=True)
    e = jnp.exp(logits - m)
    lse = jnp.log(jnp.sum(e, axis=1, keepdims=True)) + m
    o_ref[...] = logits - lse


_BR = 1000
_NB = N // _BR


def _row_specs():
    return {
        "x": pl.BlockSpec((_BR, F), lambda i: (i, 0)),
        "p": pl.BlockSpec((2, _BR, F), lambda i: (0, i, 0)),
        "deg": pl.BlockSpec((2, _BR, 1), lambda i: (0, i, 0)),
        "w": pl.BlockSpec((F, F), lambda i: (0, 0)),
        "b": pl.BlockSpec((1, F), lambda i: (0, 0)),
        "o": pl.BlockSpec((_BR, F), lambda i: (i, 0)),
    }


@jax.jit
def _tc_matmul_scale(x, W0, dego):
    s = _row_specs()
    return pl.pallas_call(
        _tc_matmul_scale_body,
        grid=(_NB,),
        in_specs=[s["x"], s["w"], s["deg"]],
        out_specs=s["o"],
        out_shape=jax.ShapeDtypeStruct((N, F), jnp.float32),
    )(x, W0, dego)


@jax.jit
def _tc_mid(p, degi, dego, b0, W1):
    s = _row_specs()
    return pl.pallas_call(
        _tc_mid_body,
        grid=(_NB,),
        in_specs=[s["p"], s["deg"], s["deg"], s["b"], s["w"]],
        out_specs=s["o"],
        out_shape=jax.ShapeDtypeStruct((N, F), jnp.float32),
    )(p, degi, dego, b0, W1)


@jax.jit
def _tc_final(q, degi, b1, wo, bo):
    s = _row_specs()
    return pl.pallas_call(
        _tc_final_body,
        grid=(_NB,),
        in_specs=[s["p"], s["deg"], s["b"], s["w"], s["b"]],
        out_specs=s["o"],
        out_shape=jax.ShapeDtypeStruct((N, F), jnp.float32),
    )(q, degi, b1, wo, bo)


def kernel(graph, x, W0, b0, W1, b1, W_out, b_out):
    srcg = graph[0].reshape(NC * NS * NGRP, SGRP, W)
    dstg = graph[1].reshape(NC * NS * NGRP, SGRP, W)

    dego_p, degi_p = _sc_degrees(srcg, dstg)
    dego = dego_p.reshape(NC, NPAD, 1)
    degi = degi_p.reshape(NC, NPAD, 1)

    h0 = _tc_matmul_scale(x, W0, dego)
    p = _sc_spmm(srcg, dstg, h0).reshape(NC, NPAD, F)
    h1 = _tc_mid(p, degi, dego, b0.reshape(1, F), W1)
    q = _sc_spmm(srcg, dstg, h1).reshape(NC, NPAD, F)

    wo = jnp.zeros((F, F), jnp.float32).at[:, :NCLASS].set(W_out)
    bo = jnp.full((F,), -1e9, jnp.float32).at[:NCLASS].set(b_out).reshape(1, F)
    out = _tc_final(q, degi, b1.reshape(1, F), wo, bo)
    return out[:, :NCLASS]

# --- scband reference (transcript-rebuilt; emitter-appended) ---
"""Pipeline reference for scband-gcn-9311489097968 (READ-ONLY COPY).

The authoritative reference and input builder live on the scoring server;
editing this copy changes nothing except your own understanding.
"""

import jax, jax.numpy as jnp
import numpy as np

N = 10000
E = 320000
NFEAT = 128
NHID = 128
NCLASS = 40


def _glorot(key, fan_in, fan_out):
    limit = np.sqrt(6.0 / (fan_in + fan_out))
    return jax.random.uniform(key, (fan_in, fan_out), dtype=jnp.float32, minval=-limit, maxval=limit)


def setup_inputs(seed: int = 0) -> dict:
    key = jax.random.key(seed)
    ks = jax.random.split(key, 8)
    x = jax.random.normal(ks[0], (N, NFEAT), dtype=jnp.float32)
    graph = jax.random.randint(ks[1], (2, E), 0, N, dtype=jnp.int32)
    W0 = _glorot(ks[2], NFEAT, NHID)
    b0 = jnp.zeros((NHID,), dtype=jnp.float32)
    W1 = _glorot(ks[3], NHID, NHID)
    b1 = jnp.zeros((NHID,), dtype=jnp.float32)
    W_out = _glorot(ks[4], NHID, NCLASS)
    b_out = jnp.zeros((NCLASS,), dtype=jnp.float32)
    return {"graph": graph, "x": x, "W0": W0, "b0": b0, "W1": W1, "b1": b1, "W_out": W_out, "b_out": b_out}


def _gcn_conv(x, src, dst, W, b):
    # DGL GraphConv with norm='both': h = D_dst^{-1/2} A D_src^{-1/2} (x W) + b
    h = x @ W
    ones = jnp.ones((src.shape[0],), dtype=jnp.float32)
    deg_out = jnp.zeros((N,), dtype=jnp.float32).at[src].add(ones)
    deg_in = jnp.zeros((N,), dtype=jnp.float32).at[dst].add(ones)
    norm_src = jnp.where(deg_out > 0, 1.0 / jnp.sqrt(jnp.maximum(deg_out, 1.0)), 0.0)
    norm_dst = jnp.where(deg_in > 0, 1.0 / jnp.sqrt(jnp.maximum(deg_in, 1.0)), 0.0)
    h = h * norm_src[:, None]
    msgs = jnp.take(h, src, axis=0)
    agg = jnp.zeros_like(h).at[dst].add(msgs)
    agg = agg * norm_dst[:, None]
    return agg + b


def reference(graph, x, W0, b0, W1, b1, W_out, b_out):
    src = graph[0]
    dst = graph[1]
    # drop p=0.0 -> identity; norm='none' -> identity; residual='none' -> identity
    h = _gcn_conv(x, src, dst, W0, b0)
    h = jax.nn.relu(h)
    h = _gcn_conv(h, src, dst, W1, b1)
    h = jax.nn.relu(h)
    h = h @ W_out + b_out
    return jax.nn.log_softmax(h, axis=1)

if __name__ == "__main__":
    import jax
    _d = setup_inputs()
    print(jax.jit(kernel)(*tuple(_d.values())))

</pallas_src>

<mosaic_0001>
#map = affine_map<(d0, d1) -> (0, 0, 0)>
#map1 = affine_map<(d0, d1) -> (0)>
module attributes {stable_mosaic.version = 14 : i64} {
  func.func @k(%arg0: i32, %arg1: i32, %arg2: memref<1280x2x125xi32, #tpu.memory_space<hbm>>, %arg3: memref<1280x2x125xi32, #tpu.memory_space<hbm>>, %arg4: memref<20480xf32, #tpu.memory_space<hbm>>, %arg5: memref<20480xf32, #tpu.memory_space<hbm>>, %arg6: memref<2x125xi32, #tpu.memory_space<vmem>>, %arg7: memref<2x125xi32, #tpu.memory_space<vmem>>, %arg8: memref<2x125xi32, #tpu.memory_space<vmem>>, %arg9: memref<2x125xi32, #tpu.memory_space<vmem>>, %arg10: memref<128xf32, #tpu.memory_space<vmem>>, %arg11: memref<640xf32, #tpu.memory_space<vmem>>, %arg12: memref<10240xf32, #tpu.memory_space<vmem_shared>>, %arg13: memref<10240xf32, #tpu.memory_space<vmem_shared>>, %arg14: memref<!tpu.dma_semaphore, #tpu.memory_space<semaphore_mem>>, %arg15: memref<!tpu.dma_semaphore, #tpu.memory_space<semaphore_mem>>, %arg16: memref<!tpu.dma_semaphore, #tpu.memory_space<semaphore_mem>>, %arg17: memref<!tpu.dma_semaphore, #tpu.memory_space<semaphore_mem>>, %arg18: memref<!tpu.dma_semaphore, #tpu.memory_space<semaphore_mem>>) attributes {dimension_semantics = [#tpu.dimension_semantics<core_parallel>, #tpu.dimension_semantics<subcore_parallel>], iteration_bounds = array<i64: 2, 16>, scalar_prefetch = 0 : i64, scratch_operands = 13 : i64, tpu.core_type = #tpu.core_type<sc_vector_subcore>, window_params = [{transform_indices = #map}, {transform_indices = #map}, {transform_indices = #map1}, {transform_indices = #map1}]} {
    %mul3A = arith.constant 16 : i32
    %mul3A_0 = arith.muli %arg0, %mul3A : i32
    %add3A = arith.addi %mul3A_0, %arg1 : i32
    %mul3A_1 = arith.constant 40 : i32
    %mul3A_2 = arith.muli %add3A, %mul3A_1 : i32
    %broadcast_in_dim3A = arith.constant 0.000000e+00 : f32
    %broadcast_in_dim3A_3 = vector.broadcast %broadcast_in_dim3A : f32 to vector<16xf32>
    %scan3A = arith.constant 0 : i32
    %scan3A_4 = arith.constant 40 : i32
    %scan3A_5 = arith.addi %scan3A, %scan3A_4 : i32
    %scan3A_6 = arith.constant 1 : i32
    scf.for %scan3A_41 = %scan3A to %scan3A_5 step %scan3A_6  : i32 {
      %mul3A_42 = arith.constant 16 : i32
      %mul3A_43 = arith.muli %scan3A_41, %mul3A_42 : i32
      %add3A_44 = arith.constant 0 : i32
      %add3A_45 = arith.addi %add3A_44, %mul3A_43 : i32
      %swap3A_46 = arith.index_cast %add3A_45 : i32 to index
      %swap3A_47 = tpu.vector_load %arg11[%swap3A_46] {strides = array<i32>} : memref<640xf32, #tpu.memory_space<vmem>>, vector<16xf32>,
      %swap3A_48 = vector.shape_cast %swap3A_47 : vector<16xf32> to vector<16xf32>
      %swap3A_49 = vector.shape_cast %broadcast_in_dim3A_3 : vector<16xf32> to vector<16xf32>
      tpu.vector_store %arg11[%swap3A_46], %swap3A_49 {strides = array<i32>} : memref<640xf32, #tpu.memory_space<vmem>>, vector<16xf32>,
    }
    %scan3A_7 = arith.constant 40 : i32
    %mul3A_8 = arith.constant 640 : i32
    %mul3A_9 = arith.muli %arg1, %mul3A_8 : i32
    "tpu.region"() ({
      %run_scoped3A = tpu.sem_alloc : memref<!tpu.dma_semaphore, #tpu.memory_space<semaphore_mem>>
      %dma_start3A = tpu.memref_slice %arg12[%mul3A_9] : memref<10240xf32, #tpu.memory_space<vmem_shared>> -> memref<640xf32, #tpu.memory_space<vmem_shared>>
      %dma_start3A_41 = tpu.memref_slice %arg12[%mul3A_9] : memref<10240xf32, #tpu.memory_space<vmem_shared>> -> memref<640xf32, #tpu.memory_space<vmem_shared>>
      tpu.enqueue_dma source(%arg11 : memref<640xf32, #tpu.memory_space<vmem>>) target(%dma_start3A_41 : memref<640xf32, #tpu.memory_space<vmem_shared>>) target_semaphore(%run_scoped3A : memref<!tpu.dma_semaphore, #tpu.memory_space<semaphore_mem>>)
      %dma_wait3A = tpu.memref_slice %arg12[%mul3A_9] : memref<10240xf32, #tpu.memory_space<vmem_shared>> -> memref<640xf32, #tpu.memory_space<vmem_shared>>
      %dma_wait3A_42 = tpu.memref_slice %arg12[%mul3A_9] : memref<10240xf32, #tpu.memory_space<vmem_shared>> -> memref<640xf32, #tpu.memory_space<vmem_shared>>
      tpu.wait_dma2 semaphore(%run_scoped3A : memref<!tpu.dma_semaphore, #tpu.memory_space<semaphore_mem>>) src(%arg11 : memref<640xf32, #tpu.memory_space<vmem>>) dst(%dma_wait3A_42 : memref<640xf32, #tpu.memory_space<vmem_shared>>)
      tpu.yield
    }) : () -> ()
    %mul3A_10 = arith.constant 640 : i32
    %mul3A_11 = arith.muli %arg1, %mul3A_10 : i32
    "tpu.region"() ({
      %run_scoped3A = tpu.sem_alloc : memref<!tpu.dma_semaphore, #tpu.memory_space<semaphore_mem>>
      %dma_start3A = tpu.memref_slice %arg13[%mul3A_11] : memref<10240xf32, #tpu.memory_space<vmem_shared>> -> memref<640xf32, #tpu.memory_space<vmem_shared>>
      %dma_start3A_41 = tpu.memref_slice %arg13[%mul3A_11] : memref<10240xf32, #tpu.memory_space<vmem_shared>> -> memref<640xf32, #tpu.memory_space<vmem_shared>>
      tpu.enqueue_dma source(%arg11 : memref<640xf32, #tpu.memory_space<vmem>>) target(%dma_start3A_41 : memref<640xf32, #tpu.memory_space<vmem_shared>>) target_semaphore(%run_scoped3A : memref<!tpu.dma_semaphore, #tpu.memory_space<semaphore_mem>>)
      %dma_wait3A = tpu.memref_slice %arg13[%mul3A_11] : memref<10240xf32, #tpu.memory_space<vmem_shared>> -> memref<640xf32, #tpu.memory_space<vmem_shared>>
      %dma_wait3A_42 = tpu.memref_slice %arg13[%mul3A_11] : memref<10240xf32, #tpu.memory_space<vmem_shared>> -> memref<640xf32, #tpu.memory_space<vmem_shared>>
      tpu.wait_dma2 semaphore(%run_scoped3A : memref<!tpu.dma_semaphore, #tpu.memory_space<semaphore_mem>>) src(%arg11 : memref<640xf32, #tpu.memory_space<vmem>>) dst(%dma_wait3A_42 : memref<640xf32, #tpu.memory_space<vmem_shared>>)
      tpu.yield
    }) : () -> ()
    %broadcast_in_dim3A_12 = arith.constant 1.000000e+00 : f32
    %broadcast_in_dim3A_13 = vector.broadcast %broadcast_in_dim3A_12 : f32 to vector<16xf32>
    %scan3A_14 = arith.constant 0 : i32
    %scan3A_15 = arith.constant 8 : i32
    %scan3A_16 = arith.addi %scan3A_14, %scan3A_15 : i32
    %scan3A_17 = arith.constant 1 : i32
    scf.for %scan3A_41 = %scan3A_14 to %scan3A_16 step %scan3A_17  : i32 {
      %mul3A_42 = arith.constant 16 : i32
      %mul3A_43 = arith.muli %scan3A_41, %mul3A_42 : i32
      %add3A_44 = arith.constant 0 : i32
      %add3A_45 = arith.addi %add3A_44, %mul3A_43 : i32
      %swap3A_46 = arith.index_cast %add3A_45 : i32 to index
      %swap3A_47 = tpu.vector_load %arg10[%swap3A_46] {strides = array<i32>} : memref<128xf32, #tpu.memory_space<vmem>>, vector<16xf32>,
      %swap3A_48 = vector.shape_cast %swap3A_47 : vector<16xf32> to vector<16xf32>
      %swap3A_49 = vector.shape_cast %broadcast_in_dim3A_13 : vector<16xf32> to vector<16xf32>
      tpu.vector_store %arg10[%swap3A_46], %swap3A_49 {strides = array<i32>} : memref<128xf32, #tpu.memory_space<vmem>>, vector<16xf32>,
    }
    %scan3A_18 = arith.constant 8 : i32
    %swap3A = arith.constant 112 : index
    %swap3A_19 = tpu.vector_load %arg10[%swap3A] {strides = array<i32>} : memref<128xf32, #tpu.memory_space<vmem>>, vector<16xf32>,
    %swap3A_20 = vector.shape_cast %swap3A_19 : vector<16xf32> to vector<16xf32>
    %swap3A_21 = vector.shape_cast %broadcast_in_dim3A_13 : vector<16xf32> to vector<16xf32>
    tpu.vector_store %arg10[%swap3A], %swap3A_21 {strides = array<i32>} : memref<128xf32, #tpu.memory_space<vmem>>, vector<16xf32>,
    "tpu.region"() ({
      %run_scoped3A = tpu.sem_alloc : memref<!tpu.dma_semaphore, #tpu.memory_space<semaphore_mem>>
      %dma_start3A = arith.constant 0 : i32
      %dma_start3A_41 = arith.constant 0 : i32
      %dma_start3A_42 = tpu.memref_slice %arg2[%mul3A_2, %dma_start3A, %dma_start3A_41] : memref<1280x2x125xi32, #tpu.memory_space<hbm>> -> memref<1x2x125xi32, #tpu.memory_space<hbm>>
      %dma_start3A_43 = tpu.memref_squeeze %dma_start3A_42 : memref<1x2x125xi32, #tpu.memory_space<hbm>> -> memref<2x125xi32, #tpu.memory_space<hbm>>
      %dma_start3A_44 = arith.constant 0 : i32
      %dma_start3A_45 = arith.constant 0 : i32
      %dma_start3A_46 = tpu.memref_slice %arg2[%mul3A_2, %dma_start3A_44, %dma_start3A_45] : memref<1280x2x125xi32, #tpu.memory_space<hbm>> -> memref<1x2x125xi32, #tpu.memory_space<hbm>>
      %dma_start3A_47 = tpu.memref_squeeze %dma_start3A_46 : memref<1x2x125xi32, #tpu.memory_space<hbm>> -> memref<2x125xi32, #tpu.memory_space<hbm>>
      tpu.enqueue_dma source(%dma_start3A_47 : memref<2x125xi32, #tpu.memory_space<hbm>>) target(%arg6 : memref<2x125xi32, #tpu.memory_space<vmem>>) target_semaphore(%run_scoped3A : memref<!tpu.dma_semaphore, #tpu.memory_space<semaphore_mem>>)
      %dma_wait3A = arith.constant 0 : i32
      %dma_wait3A_48 = arith.constant 0 : i32
      %dma_wait3A_49 = tpu.memref_slice %arg2[%mul3A_2, %dma_wait3A, %dma_wait3A_48] : memref<1280x2x125xi32, #tpu.memory_space<hbm>> -> memref<1x2x125xi32, #tpu.memory_space<hbm>>
      %dma_wait3A_50 = tpu.memref_squeeze %dma_wait3A_49 : memref<1x2x125xi32, #tpu.memory_space<hbm>> -> memref<2x125xi32, #tpu.memory_space<hbm>>
      %dma_wait3A_51 = arith.constant 0 : i32
      %dma_wait3A_52 = arith.constant 0 : i32
      %dma_wait3A_53 = tpu.memref_slice %arg2[%mul3A_2, %dma_wait3A_51, %dma_wait3A_52] : memref<1280x2x125xi32, #tpu.memory_space<hbm>> -> memref<1x2x125xi32, #tpu.memory_space<hbm>>
      %dma_wait3A_54 = tpu.memref_squeeze %dma_wait3A_53 : memref<1x2x125xi32, #tpu.memory_space<hbm>> -> memref<2x125xi32, #tpu.memory_space<hbm>>
      tpu.wait_dma2 semaphore(%run_scoped3A : memref<!tpu.dma_semaphore, #tpu.memory_space<semaphore_mem>>) src(%dma_wait3A_54 : memref<2x125xi32, #tpu.memory_space<hbm>>) dst(%arg6 : memref<2x125xi32, #tpu.memory_space<vmem>>)
      tpu.yield
    }) : () -> ()
    "tpu.region"() ({
      %run_scoped3A = tpu.sem_alloc : memref<!tpu.dma_semaphore, #tpu.memory_space<semaphore_mem>>
      %dma_start3A = arith.constant 0 : i32
      %dma_start3A_41 = arith.constant 0 : i32
      %dma_start3A_42 = tpu.memref_slice %arg3[%mul3A_2, %dma_start3A, %dma_start3A_41] : memref<1280x2x125xi32, #tpu.memory_space<hbm>> -> memref<1x2x125xi32, #tpu.memory_space<hbm>>
      %dma_start3A_43 = tpu.memref_squeeze %dma_start3A_42 : memref<1x2x125xi32, #tpu.memory_space<hbm>> -> memref<2x125xi32, #tpu.memory_space<hbm>>
      %dma_start3A_44 = arith.constant 0 : i32
      %dma_start3A_45 = arith.constant 0 : i32
      %dma_start3A_46 = tpu.memref_slice %arg3[%mul3A_2, %dma_start3A_44, %dma_start3A_45] : memref<1280x2x125xi32, #tpu.memory_space<hbm>> -> memref<1x2x125xi32, #tpu.memory_space<hbm>>
      %dma_start3A_47 = tpu.memref_squeeze %dma_start3A_46 : memref<1x2x125xi32, #tpu.memory_space<hbm>> -> memref<2x125xi32, #tpu.memory_space<hbm>>
      tpu.enqueue_dma source(%dma_start3A_47 : memref<2x125xi32, #tpu.memory_space<hbm>>) target(%arg8 : memref<2x125xi32, #tpu.memory_space<vmem>>) target_semaphore(%run_scoped3A : memref<!tpu.dma_semaphore, #tpu.memory_space<semaphore_mem>>)
      %dma_wait3A = arith.constant 0 : i32
      %dma_wait3A_48 = arith.constant 0 : i32
      %dma_wait3A_49 = tpu.memref_slice %arg3[%mul3A_2, %dma_wait3A, %dma_wait3A_48] : memref<1280x2x125xi32, #tpu.memory_space<hbm>> -> memref<1x2x125xi32, #tpu.memory_space<hbm>>
      %dma_wait3A_50 = tpu.memref_squeeze %dma_wait3A_49 : memref<1x2x125xi32, #tpu.memory_space<hbm>> -> memref<2x125xi32, #tpu.memory_space<hbm>>
      %dma_wait3A_51 = arith.constant 0 : i32
      %dma_wait3A_52 = arith.constant 0 : i32
      %dma_wait3A_53 = tpu.memref_slice %arg3[%mul3A_2, %dma_wait3A_51, %dma_wait3A_52] : memref<1280x2x125xi32, #tpu.memory_space<hbm>> -> memref<1x2x125xi32, #tpu.memory_space<hbm>>
      %dma_wait3A_54 = tpu.memref_squeeze %dma_wait3A_53 : memref<1x2x125xi32, #tpu.memory_space<hbm>> -> memref<2x125xi32, #tpu.memory_space<hbm>>
      tpu.wait_dma2 semaphore(%run_scoped3A : memref<!tpu.dma_semaphore, #tpu.memory_space<semaphore_mem>>) src(%dma_wait3A_54 : memref<2x125xi32, #tpu.memory_space<hbm>>) dst(%arg8 : memref<2x125xi32, #tpu.memory_space<vmem>>)
      tpu.yield
    }) : () -> ()
    %add3A_22 = arith.constant 1 : i32
    %add3A_23 = arith.addi %mul3A_2, %add3A_22 : i32
    "tpu.region"() ({
      %run_scoped3A = tpu.sem_alloc : memref<!tpu.dma_semaphore, #tpu.memory_space<semaphore_mem>>
      %dma_start3A = arith.constant 0 : i32
      %dma_start3A_41 = arith.constant 0 : i32
      %dma_start3A_42 = tpu.memref_slice %arg2[%add3A_23, %dma_start3A, %dma_start3A_41] : memref<1280x2x125xi32, #tpu.memory_space<hbm>> -> memref<1x2x125xi32, #tpu.memory_space<hbm>>
      %dma_start3A_43 = tpu.memref_squeeze %dma_start3A_42 : memref<1x2x125xi32, #tpu.memory_space<hbm>> -> memref<2x125xi32, #tpu.memory_space<hbm>>
      %dma_start3A_44 = arith.constant 0 : i32
      %dma_start3A_45 = arith.constant 0 : i32
      %dma_start3A_46 = tpu.memref_slice %arg2[%add3A_23, %dma_start3A_44, %dma_start3A_45] : memref<1280x2x125xi32, #tpu.memory_space<hbm>> -> memref<1x2x125xi32, #tpu.memory_space<hbm>>
      %dma_start3A_47 = tpu.memref_squeeze %dma_start3A_46 : memref<1x2x125xi32, #tpu.memory_space<hbm>> -> memref<2x125xi32, #tpu.memory_space<hbm>>
      tpu.enqueue_dma source(%dma_start3A_47 : memref<2x125xi32, #tpu.memory_space<hbm>>) target(%arg7 : memref<2x125xi32, #tpu.memory_space<vmem>>) target_semaphore(%run_scoped3A : memref<!tpu.dma_semaphore, #tpu.memory_space<semaphore_mem>>)
      %dma_wait3A = arith.constant 0 : i32
      %dma_wait3A_48 = arith.constant 0 : i32
      %dma_wait3A_49 = tpu.memref_slice %arg2[%add3A_23, %dma_wait3A, %dma_wait3A_48] : memref<1280x2x125xi32, #tpu.memory_space<hbm>> -> memref<1x2x125xi32, #tpu.memory_space<hbm>>
      %dma_wait3A_50 = tpu.memref_squeeze %dma_wait3A_49 : memref<1x2x125xi32, #tpu.memory_space<hbm>> -> memref<2x125xi32, #tpu.memory_space<hbm>>
      %dma_wait3A_51 = arith.constant 0 : i32
      %dma_wait3A_52 = arith.constant 0 : i32
      %dma_wait3A_53 = tpu.memref_slice %arg2[%add3A_23, %dma_wait3A_51, %dma_wait3A_52] : memref<1280x2x125xi32, #tpu.memory_space<hbm>> -> memref<1x2x125xi32, #tpu.memory_space<hbm>>
      %dma_wait3A_54 = tpu.memref_squeeze %dma_wait3A_53 : memref<1x2x125xi32, #tpu.memory_space<hbm>> -> memref<2x125xi32, #tpu.memory_space<hbm>>
      tpu.wait_dma2 semaphore(%run_scoped3A : memref<!tpu.dma_semaphore, #tpu.memory_space<semaphore_mem>>) src(%dma_wait3A_54 : memref<2x125xi32, #tpu.memory_space<hbm>>) dst(%arg7 : memref<2x125xi32, #tpu.memory_space<vmem>>)
      tpu.yield
    }) : () -> ()
    %add3A_24 = arith.constant 1 : i32
    %add3A_25 = arith.addi %mul3A_2, %add3A_24 : i32
    "tpu.region"() ({
      %run_scoped3A = tpu.sem_alloc : memref<!tpu.dma_semaphore, #tpu.memory_space<semaphore_mem>>
      %dma_start3A = arith.constant 0 : i32
      %dma_start3A_41 = arith.constant 0 : i32
      %dma_start3A_42 = tpu.memref_slice %arg3[%add3A_25, %dma_start3A, %dma_start3A_41] : memref<1280x2x125xi32, #tpu.memory_space<hbm>> -> memref<1x2x125xi32, #tpu.memory_space<hbm>>
      %dma_start3A_43 = tpu.memref_squeeze %dma_start3A_42 : memref<1x2x125xi32, #tpu.memory_space<hbm>> -> memref<2x125xi32, #tpu.memory_space<hbm>>
      %dma_start3A_44 = arith.constant 0 : i32
      %dma_start3A_45 = arith.constant 0 : i32
      %dma_start3A_46 = tpu.memref_slice %arg3[%add3A_25, %dma_start3A_44, %dma_start3A_45] : memref<1280x2x125xi32, #tpu.memory_space<hbm>> -> memref<1x2x125xi32, #tpu.memory_space<hbm>>
      %dma_start3A_47 = tpu.memref_squeeze %dma_start3A_46 : memref<1x2x125xi32, #tpu.memory_space<hbm>> -> memref<2x125xi32, #tpu.memory_space<hbm>>
      tpu.enqueue_dma source(%dma_start3A_47 : memref<2x125xi32, #tpu.memory_space<hbm>>) target(%arg9 : memref<2x125xi32, #tpu.memory_space<vmem>>) target_semaphore(%run_scoped3A : memref<!tpu.dma_semaphore, #tpu.memory_space<semaphore_mem>>)
      %dma_wait3A = arith.constant 0 : i32
      %dma_wait3A_48 = arith.constant 0 : i32
      %dma_wait3A_49 = tpu.memref_slice %arg3[%add3A_25, %dma_wait3A, %dma_wait3A_48] : memref<1280x2x125xi32, #tpu.memory_space<hbm>> -> memref<1x2x125xi32, #tpu.memory_space<hbm>>
      %dma_wait3A_50 = tpu.memref_squeeze %dma_wait3A_49 : memref<1x2x125xi32, #tpu.memory_space<hbm>> -> memref<2x125xi32, #tpu.memory_space<hbm>>
      %dma_wait3A_51 = arith.constant 0 : i32
      %dma_wait3A_52 = arith.constant 0 : i32
      %dma_wait3A_53 = tpu.memref_slice %arg3[%add3A_25, %dma_wait3A_51, %dma_wait3A_52] : memref<1280x2x125xi32, #tpu.memory_space<hbm>> -> memref<1x2x125xi32, #tpu.memory_space<hbm>>
      %dma_wait3A_54 = tpu.memref_squeeze %dma_wait3A_53 : memref<1x2x125xi32, #tpu.memory_space<hbm>> -> memref<2x125xi32, #tpu.memory_space<hbm>>
      tpu.wait_dma2 semaphore(%run_scoped3A : memref<!tpu.dma_semaphore, #tpu.memory_space<semaphore_mem>>) src(%dma_wait3A_54 : memref<2x125xi32, #tpu.memory_space<hbm>>) dst(%arg9 : memref<2x125xi32, #tpu.memory_space<vmem>>)
      tpu.yield
    }) : () -> ()
    %barrier3A = arith.constant 0 : index
    tpu.barrier barrier_id(%barrier3A)
    %scan3A_26 = arith.constant 0 : i32
    %scan3A_27 = arith.constant 20 : i32
    %scan3A_28 = arith.addi %scan3A_26, %scan3A_27 : i32
    %scan3A_29 = arith.constant 1 : i32
    scf.for %scan3A_41 = %scan3A_26 to %scan3A_28 step %scan3A_29  : i32 {
      %mul3A_42 = arith.constant 1 : i32
      %mul3A_43 = arith.muli %scan3A_41, %mul3A_42 : i32
      %add3A_44 = arith.constant 0 : i32
      %add3A_45 = arith.addi %add3A_44, %mul3A_43 : i32
      %mul3A_46 = arith.constant 2 : i32
      %mul3A_47 = arith.muli %add3A_45, %mul3A_46 : i32
      %add3A_48 = arith.constant 0 : i32
      %add3A_49 = arith.addi %mul3A_47, %add3A_48 : i32
      %ge3A = arith.constant 2 : i32
      %ge3A_50 = arith.cmpi sge, %add3A_49, %ge3A : i32
      %convert_element_type3A = arith.extui %ge3A_50 : i1 to i32
      %cond3A = arith.constant 0 : i32
      %cond3A_51 = arith.cmpi ne, %convert_element_type3A, %cond3A : i32
      scf.if %cond3A_51 {
        %dma_wait3A_200 = arith.constant 0 : i32
        %dma_wait3A_201 = arith.constant 0 : i32
        %dma_wait3A_202 = tpu.memref_slice %arg2[%mul3A_2, %dma_wait3A_200, %dma_wait3A_201] : memref<1280x2x125xi32, #tpu.memory_space<hbm>> -> memref<1x2x125xi32, #tpu.memory_space<hbm>>
        %dma_wait3A_203 = tpu.memref_squeeze %dma_wait3A_202 : memref<1x2x125xi32, #tpu.memory_space<hbm>> -> memref<2x125xi32, #tpu.memory_space<hbm>>
        %dma_wait3A_204 = arith.constant 0 : i32
        %dma_wait3A_205 = arith.constant 0 : i32
        %dma_wait3A_206 = tpu.memref_slice %arg2[%mul3A_2, %dma_wait3A_204, %dma_wait3A_205] : memref<1280x2x125xi32, #tpu.memory_space<hbm>> -> memref<1x2x125xi32, #tpu.memory_space<hbm>>
        %dma_wait3A_207 = tpu.memref_squeeze %dma_wait3A_206 : memref<1x2x125xi32, #tpu.memory_space<hbm>> -> memref<2x125xi32, #tpu.memory_space<hbm>>
        tpu.wait_dma2 semaphore(%arg14 : memref<!tpu.dma_semaphore, #tpu.memory_space<semaphore_mem>>) src(%dma_wait3A_207 : memref<2x125xi32, #tpu.memory_space<hbm>>) dst(%arg6 : memref<2x125xi32, #tpu.memory_space<vmem>>)
        %dma_wait3A_208 = arith.constant 0 : i32
        %dma_wait3A_209 = arith.constant 0 : i32
        %dma_wait3A_210 = tpu.memref_slice %arg3[%mul3A_2, %dma_wait3A_208, %dma_wait3A_209] : memref<1280x2x125xi32, #tpu.memory_space<hbm>> -> memref<1x2x125xi32, #tpu.memory_space<hbm>>
        %dma_wait3A_211 = tpu.memref_squeeze %dma_wait3A_210 : memref<1x2x125xi32, #tpu.memory_space<hbm>> -> memref<2x125xi32, #tpu.memory_space<hbm>>
        %dma_wait3A_212 = arith.constant 0 : i32
        %dma_wait3A_213 = arith.constant 0 : i32
        %dma_wait3A_214 = tpu.memref_slice %arg3[%mul3A_2, %dma_wait3A_212, %dma_wait3A_213] : memref<1280x2x125xi32, #tpu.memory_space<hbm>> -> memref<1x2x125xi32, #tpu.memory_space<hbm>>
        %dma_wait3A_215 = tpu.memref_squeeze %dma_wait3A_214 : memref<1x2x125xi32, #tpu.memory_space<hbm>> -> memref<2x125xi32, #tpu.memory_space<hbm>>
        tpu.wait_dma2 semaphore(%arg16 : memref<!tpu.dma_semaphore, #tpu.memory_space<semaphore_mem>>) src(%dma_wait3A_215 : memref<2x125xi32, #tpu.memory_space<hbm>>) dst(%arg8 : memref<2x125xi32, #tpu.memory_space<vmem>>)
      } else {
      }
      %dma_start3A = arith.constant 0 : i32
      %dma_start3A_52 = arith.constant 0 : i32
      %dma_start3A_53 = tpu.memref_slice %arg10[%dma_start3A_52] : memref<128xf32, #tpu.memory_space<vmem>> -> memref<125xf32, #tpu.memory_space<vmem>>
      %dma_start3A_54 = arith.constant 0 : i32
      %dma_start3A_55 = tpu.memref_slice %arg6[%dma_start3A, %dma_start3A_54] : memref<2x125xi32, #tpu.memory_space<vmem>> -> memref<1x125xi32, #tpu.memory_space<vmem>>
      %dma_start3A_56 = tpu.memref_squeeze %dma_start3A_55 : memref<1x125xi32, #tpu.memory_space<vmem>> -> memref<125xi32, #tpu.memory_space<vmem>>
      %dma_start3A_57 = arith.constant 0 : i32
      %dma_start3A_58 = tpu.memref_slice %arg12[%dma_start3A_57] : memref<10240xf32, #tpu.memory_space<vmem_shared>> -> memref<10240xf32, #tpu.memory_space<vmem_shared>>
      tpu.enqueue_indirect_dma source(%dma_start3A_53 : memref<125xf32, #tpu.memory_space<vmem>>) target(%dma_start3A_58 : memref<10240xf32, #tpu.memory_space<vmem_shared>>) offsets(%dma_start3A_56 : memref<125xi32, #tpu.memory_space<vmem>>) semaphore(%arg18 : memref<!tpu.dma_semaphore, #tpu.memory_space<semaphore_mem>>) {add = true}
      %dma_start3A_59 = arith.constant 0 : i32
      %dma_start3A_60 = arith.constant 0 : i32
      %dma_start3A_61 = tpu.memref_slice %arg10[%dma_start3A_60] : memref<128xf32, #tpu.memory_space<vmem>> -> memref<125xf32, #tpu.memory_space<vmem>>
      %dma_start3A_62 = arith.constant 0 : i32
      %dma_start3A_63 = tpu.memref_slice %arg8[%dma_start3A_59, %dma_start3A_62] : memref<2x125xi32, #tpu.memory_space<vmem>> -> memref<1x125xi32, #tpu.memory_space<vmem>>
      %dma_start3A_64 = tpu.memref_squeeze %dma_start3A_63 : memref<1x125xi32, #tpu.memory_space<vmem>> -> memref<125xi32, #tpu.memory_space<vmem>>
      %dma_start3A_65 = arith.constant 0 : i32
      %dma_start3A_66 = tpu.memref_slice %arg13[%dma_start3A_65] : memref<10240xf32, #tpu.memory_space<vmem_shared>> -> memref<10240xf32, #tpu.memory_space<vmem_shared>>
      tpu.enqueue_indirect_dma source(%dma_start3A_61 : memref<125xf32, #tpu.memory_space<vmem>>) target(%dma_start3A_66 : memref<10240xf32, #tpu.memory_space<vmem_shared>>) offsets(%dma_start3A_64 : memref<125xi32, #tpu.memory_space<vmem>>) semaphore(%arg18 : memref<!tpu.dma_semaphore, #tpu.memory_space<semaphore_mem>>) {add = true}
      %dma_start3A_67 = arith.constant 1 : i32
      %dma_start3A_68 = arith.constant 0 : i32
      %dma_start3A_69 = tpu.memref_slice %arg10[%dma_start3A_68] : memref<128xf32, #tpu.memory_space<vmem>> -> memref<125xf32, #tpu.memory_space<vmem>>
      %dma_start3A_70 = arith.constant 0 : i32
      %dma_start3A_71 = tpu.memref_slice %arg6[%dma_start3A_67, %dma_start3A_70] : memref<2x125xi32, #tpu.memory_space<vmem>> -> memref<1x125xi32, #tpu.memory_space<vmem>>
      %dma_start3A_72 = tpu.memref_squeeze %dma_start3A_71 : memref<1x125xi32, #tpu.memory_space<vmem>> -> memref<125xi32, #tpu.memory_space<vmem>>
      %dma_start3A_73 = arith.constant 0 : i32
      %dma_start3A_74 = tpu.memref_slice %arg12[%dma_start3A_73] : memref<10240xf32, #tpu.memory_space<vmem_shared>> -> memref<10240xf32, #tpu.memory_space<vmem_shared>>
      tpu.enqueue_indirect_dma source(%dma_start3A_69 : memref<125xf32, #tpu.memory_space<vmem>>) target(%dma_start3A_74 : memref<10240xf32, #tpu.memory_space<vmem_shared>>) offsets(%dma_start3A_72 : memref<125xi32, #tpu.memory_space<vmem>>) semaphore(%arg18 : memref<!tpu.dma_semaphore, #tpu.memory_space<semaphore_mem>>) {add = true}
      %dma_start3A_75 = arith.constant 1 : i32
      %dma_start3A_76 = arith.constant 0 : i32
      %dma_start3A_77 = tpu.memref_slice %arg10[%dma_start3A_76] : memref<128xf32, #tpu.memory_space<vmem>> -> memref<125xf32, #tpu.memory_space<vmem>>
      %dma_start3A_78 = arith.constant 0 : i32
      %dma_start3A_79 = tpu.memref_slice %arg8[%dma_start3A_75, %dma_start3A_78] : memref<2x125xi32, #tpu.memory_space<vmem>> -> memref<1x125xi32, #tpu.memory_space<vmem>>
      %dma_start3A_80 = tpu.memref_squeeze %dma_start3A_79 : memref<1x125xi32, #tpu.memory_space<vmem>> -> memref<125xi32, #tpu.memory_space<vmem>>
      %dma_start3A_81 = arith.constant 0 : i32
      %dma_start3A_82 = tpu.memref_slice %arg13[%dma_start3A_81] : memref<10240xf32, #tpu.memory_space<vmem_shared>> -> memref<10240xf32, #tpu.memory_space<vmem_shared>>
      tpu.enqueue_indirect_dma source(%dma_start3A_77 : memref<125xf32, #tpu.memory_space<vmem>>) target(%dma_start3A_82 : memref<10240xf32, #tpu.memory_space<vmem_shared>>) offsets(%dma_start3A_80 : memref<125xi32, #tpu.memory_space<vmem>>) semaphore(%arg18 : memref<!tpu.dma_semaphore, #tpu.memory_space<semaphore_mem>>) {add = true}
      %dma_wait3A = arith.constant 0 : i32
      %dma_wait3A_83 = arith.constant 0 : i32
      %dma_wait3A_84 = tpu.memref_slice %arg10[%dma_wait3A_83] : memref<128xf32, #tpu.memory_space<vmem>> -> memref<125xf32, #tpu.memory_space<vmem>>
      %dma_wait3A_85 = arith.constant 0 : i32
      %dma_wait3A_86 = tpu.memref_slice %arg6[%dma_wait3A, %dma_wait3A_85] : memref<2x125xi32, #tpu.memory_space<vmem>> -> memref<1x125xi32, #tpu.memory_space<vmem>>
      %dma_wait3A_87 = tpu.memref_squeeze %dma_wait3A_86 : memref<1x125xi32, #tpu.memory_space<vmem>> -> memref<125xi32, #tpu.memory_space<vmem>>
      %dma_wait3A_88 = arith.constant 0 : i32
      %dma_wait3A_89 = tpu.memref_slice %arg12[%dma_wait3A_88] : memref<10240xf32, #tpu.memory_space<vmem_shared>> -> memref<10240xf32, #tpu.memory_space<vmem_shared>>
      tpu.wait_indirect_dma semaphore(%arg18 : memref<!tpu.dma_semaphore, #tpu.memory_space<semaphore_mem>>) src(%dma_wait3A_84 : memref<125xf32, #tpu.memory_space<vmem>>) dst(%dma_wait3A_89 : memref<10240xf32, #tpu.memory_space<vmem_shared>>)
      %dma_wait3A_90 = arith.constant 0 : i32
      %dma_wait3A_91 = arith.constant 0 : i32
      %dma_wait3A_92 = tpu.memref_slice %arg10[%dma_wait3A_91] : memref<128xf32, #tpu.memory_space<vmem>> -> memref<125xf32, #tpu.memory_space<vmem>>
      %dma_wait3A_93 = arith.constant 0 : i32
      %dma_wait3A_94 = tpu.memref_slice %arg6[%dma_wait3A_90, %dma_wait3A_93] : memref<2x125xi32, #tpu.memory_space<vmem>> -> memref<1x125xi32, #tpu.memory_space<vmem>>
      %dma_wait3A_95 = tpu.memref_squeeze %dma_wait3A_94 : memref<1x125xi32, #tpu.memory_space<vmem>> -> memref<125xi32, #tpu.memory_space<vmem>>
      %dma_wait3A_96 = arith.constant 0 : i32
      %dma_wait3A_97 = tpu.memref_slice %arg12[%dma_wait3A_96] : memref<10240xf32, #tpu.memory_space<vmem_shared>> -> memref<10240xf32, #tpu.memory_space<vmem_shared>>
      tpu.wait_indirect_dma semaphore(%arg18 : memref<!tpu.dma_semaphore, #tpu.memory_space<semaphore_mem>>) src(%dma_wait3A_92 : memref<125xf32, #tpu.memory_space<vmem>>) dst(%dma_wait3A_97 : memref<10240xf32, #tpu.memory_space<vmem_shared>>)
      %dma_wait3A_98 = arith.constant 0 : i32
      %dma_wait3A_99 = arith.constant 0 : i32
      %dma_wait3A_100 = tpu.memref_slice %arg10[%dma_wait3A_99] : memref<128xf32, #tpu.memory_space<vmem>> -> memref<125xf32, #tpu.memory_space<vmem>>
      %dma_wait3A_101 = arith.constant 0 : i32
      %dma_wait3A_102 = tpu.memref_slice %arg6[%dma_wait3A_98, %dma_wait3A_101] : memref<2x125xi32, #tpu.memory_space<vmem>> -> memref<1x125xi32, #tpu.memory_space<vmem>>
      %dma_wait3A_103 = tpu.memref_squeeze %dma_wait3A_102 : memref<1x125xi32, #tpu.memory_space<vmem>> -> memref<125xi32, #tpu.memory_space<vmem>>
      %dma_wait3A_104 = arith.constant 0 : i32
      %dma_wait3A_105 = tpu.memref_slice %arg12[%dma_wait3A_104] : memref<10240xf32, #tpu.memory_space<vmem_shared>> -> memref<10240xf32, #tpu.memory_space<vmem_shared>>
      tpu.wait_indirect_dma semaphore(%arg18 : memref<!tpu.dma_semaphore, #tpu.memory_space<semaphore_mem>>) src(%dma_wait3A_100 : memref<125xf32, #tpu.memory_space<vmem>>) dst(%dma_wait3A_105 : memref<10240xf32, #tpu.memory_space<vmem_shared>>)
      %dma_wait3A_106 = arith.constant 0 : i32
      %dma_wait3A_107 = arith.constant 0 : i32
      %dma_wait3A_108 = tpu.memref_slice %arg10[%dma_wait3A_107] : memref<128xf32, #tpu.memory_space<vmem>> -> memref<125xf32, #tpu.memory_space<vmem>>
      %dma_wait3A_109 = arith.constant 0 : i32
      %dma_wait3A_110 = tpu.memref_slice %arg6[%dma_wait3A_106, %dma_wait3A_109] : memref<2x125xi32, #tpu.memory_space<vmem>> -> memref<1x125xi32, #tpu.memory_space<vmem>>
      %dma_wait3A_111 = tpu.memref_squeeze %dma_wait3A_110 : memref<1x125xi32, #tpu.memory_space<vmem>> -> memref<125xi32, #tpu.memory_space<vmem>>
      %dma_wait3A_112 = arith.constant 0 : i32
      %dma_wait3A_113 = tpu.memref_slice %arg12[%dma_wait3A_112] : memref<10240xf32, #tpu.memory_space<vmem_shared>> -> memref<10240xf32, #tpu.memory_space<vmem_shared>>
      tpu.wait_indirect_dma semaphore(%arg18 : memref<!tpu.dma_semaphore, #tpu.memory_space<semaphore_mem>>) src(%dma_wait3A_108 : memref<125xf32, #tpu.memory_space<vmem>>) dst(%dma_wait3A_113 : memref<10240xf32, #tpu.memory_space<vmem_shared>>)
      %add3A_114 = arith.constant 2 : i32
      %add3A_115 = arith.addi %add3A_49, %add3A_114 : i32
      %lt3A = arith.constant 40 : i32
      %lt3A_116 = arith.cmpi slt, %add3A_115, %lt3A : i32
      %convert_element_type3A_117 = arith.extui %lt3A_116 : i1 to i32
      %cond3A_118 = arith.constant 0 : i32
      %cond3A_119 = arith.cmpi ne, %convert_element_type3A_117, %cond3A_118 : i32
      scf.if %cond3A_119 {
        %add3A_200 = arith.addi %mul3A_2, %add3A_49 : i32
        %add3A_201 = arith.constant 2 : i32
        %add3A_202 = arith.addi %add3A_200, %add3A_201 : i32
        %dma_start3A_203 = arith.constant 0 : i32
        %dma_start3A_204 = arith.constant 0 : i32
        %dma_start3A_205 = tpu.memref_slice %arg2[%add3A_202, %dma_start3A_203, %dma_start3A_204] : memref<1280x2x125xi32, #tpu.memory_space<hbm>> -> memref<1x2x125xi32, #tpu.memory_space<hbm>>
        %dma_start3A_206 = tpu.memref_squeeze %dma_start3A_205 : memref<1x2x125xi32, #tpu.memory_space<hbm>> -> memref<2x125xi32, #tpu.memory_space<hbm>>
        %dma_start3A_207 = arith.constant 0 : i32
        %dma_start3A_208 = arith.constant 0 : i32
        %dma_start3A_209 = tpu.memref_slice %arg2[%add3A_202, %dma_start3A_207, %dma_start3A_208] : memref<1280x2x125xi32, #tpu.memory_space<hbm>> -> memref<1x2x125xi32, #tpu.memory_space<hbm>>
        %dma_start3A_210 = tpu.memref_squeeze %dma_start3A_209 : memref<1x2x125xi32, #tpu.memory_space<hbm>> -> memref<2x125xi32, #tpu.memory_space<hbm>>
        tpu.enqueue_dma source(%dma_start3A_210 : memref<2x125xi32, #tpu.memory_space<hbm>>) target(%arg6 : memref<2x125xi32, #tpu.memory_space<vmem>>) target_semaphore(%arg14 : memref<!tpu.dma_semaphore, #tpu.memory_space<semaphore_mem>>)
        %add3A_211 = arith.addi %mul3A_2, %add3A_49 : i32
        %add3A_212 = arith.constant 2 : i32
        %add3A_213 = arith.addi %add3A_211, %add3A_212 : i32
        %dma_start3A_214 = arith.constant 0 : i32
        %dma_start3A_215 = arith.constant 0 : i32
        %dma_start3A_216 = tpu.memref_slice %arg3[%add3A_213, %dma_start3A_214, %dma_start3A_215] : memref<1280x2x125xi32, #tpu.memory_space<hbm>> -> memref<1x2x125xi32, #tpu.memory_space<hbm>>
        %dma_start3A_217 = tpu.memref_squeeze %dma_start3A_216 : memref<1x2x125xi32, #tpu.memory_space<hbm>> -> memref<2x125xi32, #tpu.memory_space<hbm>>
        %dma_start3A_218 = arith.constant 0 : i32
        %dma_start3A_219 = arith.constant 0 : i32
        %dma_start3A_220 = tpu.memref_slice %arg3[%add3A_213, %dma_start3A_218, %dma_start3A_219] : memref<1280x2x125xi32, #tpu.memory_space<hbm>> -> memref<1x2x125xi32, #tpu.memory_space<hbm>>
        %dma_start3A_221 = tpu.memref_squeeze %dma_start3A_220 : memref<1x2x125xi32, #tpu.memory_space<hbm>> -> memref<2x125xi32, #tpu.memory_space<hbm>>
        tpu.enqueue_dma source(%dma_start3A_221 : memref<2x125xi32, #tpu.memory_space<hbm>>) target(%arg8 : memref<2x125xi32, #tpu.memory_space<vmem>>) target_semaphore(%arg16 : memref<!tpu.dma_semaphore, #tpu.memory_space<semaphore_mem>>)
      } else {
      }
      %mul3A_120 = arith.constant 2 : i32
      %mul3A_121 = arith.muli %add3A_45, %mul3A_120 : i32
      %add3A_122 = arith.constant 1 : i32
      %add3A_123 = arith.addi %mul3A_121, %add3A_122 : i32
      %ge3A_124 = arith.constant 2 : i32
      %ge3A_125 = arith.cmpi sge, %add3A_123, %ge3A_124 : i32
      %convert_element_type3A_126 = arith.extui %ge3A_125 : i1 to i32
      %cond3A_127 = arith.constant 0 : i32
      %cond3A_128 = arith.cmpi ne, %convert_element_type3A_126, %cond3A_127 : i32
      scf.if %cond3A_128 {
        %dma_wait3A_200 = arith.constant 0 : i32
        %dma_wait3A_201 = arith.constant 0 : i32
        %dma_wait3A_202 = tpu.memref_slice %arg2[%mul3A_2, %dma_wait3A_200, %dma_wait3A_201] : memref<1280x2x125xi32, #tpu.memory_space<hbm>> -> memref<1x2x125xi32, #tpu.memory_space<hbm>>
        %dma_wait3A_203 = tpu.memref_squeeze %dma_wait3A_202 : memref<1x2x125xi32, #tpu.memory_space<hbm>> -> memref<2x125xi32, #tpu.memory_space<hbm>>
        %dma_wait3A_204 = arith.constant 0 : i32
        %dma_wait3A_205 = arith.constant 0 : i32
        %dma_wait3A_206 = tpu.memref_slice %arg2[%mul3A_2, %dma_wait3A_204, %dma_wait3A_205] : memref<1280x2x125xi32, #tpu.memory_space<hbm>> -> memref<1x2x125xi32, #tpu.memory_space<hbm>>
        %dma_wait3A_207 = tpu.memref_squeeze %dma_wait3A_206 : memref<1x2x125xi32, #tpu.memory_space<hbm>> -> memref<2x125xi32, #tpu.memory_space<hbm>>
        tpu.wait_dma2 semaphore(%arg15 : memref<!tpu.dma_semaphore, #tpu.memory_space<semaphore_mem>>) src(%dma_wait3A_207 : memref<2x125xi32, #tpu.memory_space<hbm>>) dst(%arg7 : memref<2x125xi32, #tpu.memory_space<vmem>>)
        %dma_wait3A_208 = arith.constant 0 : i32
        %dma_wait3A_209 = arith.constant 0 : i32
        %dma_wait3A_210 = tpu.memref_slice %arg3[%mul3A_2, %dma_wait3A_208, %dma_wait3A_209] : memref<1280x2x125xi32, #tpu.memory_space<hbm>> -> memref<1x2x125xi32, #tpu.memory_space<hbm>>
        %dma_wait3A_211 = tpu.memref_squeeze %dma_wait3A_210 : memref<1x2x125xi32, #tpu.memory_space<hbm>> -> memref<2x125xi32, #tpu.memory_space<hbm>>
        %dma_wait3A_212 = arith.constant 0 : i32
        %dma_wait3A_213 = arith.constant 0 : i32
        %dma_wait3A_214 = tpu.memref_slice %arg3[%mul3A_2, %dma_wait3A_212, %dma_wait3A_213] : memref<1280x2x125xi32, #tpu.memory_space<hbm>> -> memref<1x2x125xi32, #tpu.memory_space<hbm>>
        %dma_wait3A_215 = tpu.memref_squeeze %dma_wait3A_214 : memref<1x2x125xi32, #tpu.memory_space<hbm>> -> memref<2x125xi32, #tpu.memory_space<hbm>>
        tpu.wait_dma2 semaphore(%arg17 : memref<!tpu.dma_semaphore, #tpu.memory_space<semaphore_mem>>) src(%dma_wait3A_215 : memref<2x125xi32, #tpu.memory_space<hbm>>) dst(%arg9 : memref<2x125xi32, #tpu.memory_space<vmem>>)
      } else {
      }
      %dma_start3A_129 = arith.constant 0 : i32
      %dma_start3A_130 = arith.constant 0 : i32
      %dma_start3A_131 = tpu.memref_slice %arg10[%dma_start3A_130] : memref<128xf32, #tpu.memory_space<vmem>> -> memref<125xf32, #tpu.memory_space<vmem>>
      %dma_start3A_132 = arith.constant 0 : i32
      %dma_start3A_133 = tpu.memref_slice %arg7[%dma_start3A_129, %dma_start3A_132] : memref<2x125xi32, #tpu.memory_space<vmem>> -> memref<1x125xi32, #tpu.memory_space<vmem>>
      %dma_start3A_134 = tpu.memref_squeeze %dma_start3A_133 : memref<1x125xi32, #tpu.memory_space<vmem>> -> memref<125xi32, #tpu.memory_space<vmem>>
      %dma_start3A_135 = arith.constant 0 : i32
      %dma_start3A_136 = tpu.memref_slice %arg12[%dma_start3A_135] : memref<10240xf32, #tpu.memory_space<vmem_shared>> -> memref<10240xf32, #tpu.memory_space<vmem_shared>>
      tpu.enqueue_indirect_dma source(%dma_start3A_131 : memref<125xf32, #tpu.memory_space<vmem>>) target(%dma_start3A_136 : memref<10240xf32, #tpu.memory_space<vmem_shared>>) offsets(%dma_start3A_134 : memref<125xi32, #tpu.memory_space<vmem>>) semaphore(%arg18 : memref<!tpu.dma_semaphore, #tpu.memory_space<semaphore_mem>>) {add = true}
      %dma_start3A_137 = arith.constant 0 : i32
      %dma_start3A_138 = arith.constant 0 : i32
      %dma_start3A_139 = tpu.memref_slice %arg10[%dma_start3A_138] : memref<128xf32, #tpu.memory_space<vmem>> -> memref<125xf32, #tpu.memory_space<vmem>>
      %dma_start3A_140 = arith.constant 0 : i32
      %dma_start3A_141 = tpu.memref_slice %arg9[%dma_start3A_137, %dma_start3A_140] : memref<2x125xi32, #tpu.memory_space<vmem>> -> memref<1x125xi32, #tpu.memory_space<vmem>>
      %dma_start3A_142 = tpu.memref_squeeze %dma_start3A_141 : memref<1x125xi32, #tpu.memory_space<vmem>> -> memref<125xi32, #tpu.memory_space<vmem>>
      %dma_start3A_143 = arith.constant 0 : i32
      %dma_start3A_144 = tpu.memref_slice %arg13[%dma_start3A_143] : memref<10240xf32, #tpu.memory_space<vmem_shared>> -> memref<10240xf32, #tpu.memory_space<vmem_shared>>
      tpu.enqueue_indirect_dma source(%dma_start3A_139 : memref<125xf32, #tpu.memory_space<vmem>>) target(%dma_start3A_144 : memref<10240xf32, #tpu.memory_space<vmem_shared>>) offsets(%dma_start3A_142 : memref<125xi32, #tpu.memory_space<vmem>>) semaphore(%arg18 : memref<!tpu.dma_semaphore, #tpu.memory_space<semaphore_mem>>) {add = true}
      %dma_start3A_145 = arith.constant 1 : i32
      %dma_start3A_146 = arith.constant 0 : i32
      %dma_start3A_147 = tpu.memref_slice %arg10[%dma_start3A_146] : memref<128xf32, #tpu.memory_space<vmem>> -> memref<125xf32, #tpu.memory_space<vmem>>
      %dma_start3A_148 = arith.constant 0 : i32
      %dma_start3A_149 = tpu.memref_slice %arg7[%dma_start3A_145, %dma_start3A_148] : memref<2x125xi32, #tpu.memory_space<vmem>> -> memref<1x125xi32, #tpu.memory_space<vmem>>
      %dma_start3A_150 = tpu.memref_squeeze %dma_start3A_149 : memref<1x125xi32, #tpu.memory_space<vmem>> -> memref<125xi32, #tpu.memory_space<vmem>>
      %dma_start3A_151 = arith.constant 0 : i32
      %dma_start3A_152 = tpu.memref_slice %arg12[%dma_start3A_151] : memref<10240xf32, #tpu.memory_space<vmem_shared>> -> memref<10240xf32, #tpu.memory_space<vmem_shared>>
      tpu.enqueue_indirect_dma source(%dma_start3A_147 : memref<125xf32, #tpu.memory_space<vmem>>) target(%dma_start3A_152 : memref<10240xf32, #tpu.memory_space<vmem_shared>>) offsets(%dma_start3A_150 : memref<125xi32, #tpu.memory_space<vmem>>) semaphore(%arg18 : memref<!tpu.dma_semaphore, #tpu.memory_space<semaphore_mem>>) {add = true}
      %dma_start3A_153 = arith.constant 1 : i32
      %dma_start3A_154 = arith.constant 0 : i32
      %dma_start3A_155 = tpu.memref_slice %arg10[%dma_start3A_154] : memref<128xf32, #tpu.memory_space<vmem>> -> memref<125xf32, #tpu.memory_space<vmem>>
      %dma_start3A_156 = arith.constant 0 : i32
      %dma_start3A_157 = tpu.memref_slice %arg9[%dma_start3A_153, %dma_start3A_156] : memref<2x125xi32, #tpu.memory_space<vmem>> -> memref<1x125xi32, #tpu.memory_space<vmem>>
      %dma_start3A_158 = tpu.memref_squeeze %dma_start3A_157 : memref<1x125xi32, #tpu.memory_space<vmem>> -> memref<125xi32, #tpu.memory_space<vmem>>
      %dma_start3A_159 = arith.constant 0 : i32
      %dma_start3A_160 = tpu.memref_slice %arg13[%dma_start3A_159] : memref<10240xf32, #tpu.memory_space<vmem_shared>> -> memref<10240xf32, #tpu.memory_space<vmem_shared>>
      tpu.enqueue_indirect_dma source(%dma_start3A_155 : memref<125xf32, #tpu.memory_space<vmem>>) target(%dma_start3A_160 : memref<10240xf32, #tpu.memory_space<vmem_shared>>) offsets(%dma_start3A_158 : memref<125xi32, #tpu.memory_space<vmem>>) semaphore(%arg18 : memref<!tpu.dma_semaphore, #tpu.memory_space<semaphore_mem>>) {add = true}
      %dma_wait3A_161 = arith.constant 0 : i32
      %dma_wait3A_162 = arith.constant 0 : i32
      %dma_wait3A_163 = tpu.memref_slice %arg10[%dma_wait3A_162] : memref<128xf32, #tpu.memory_space<vmem>> -> memref<125xf32, #tpu.memory_space<vmem>>
      %dma_wait3A_164 = arith.constant 0 : i32
      %dma_wait3A_165 = tpu.memref_slice %arg6[%dma_wait3A_161, %dma_wait3A_164] : memref<2x125xi32, #tpu.memory_space<vmem>> -> memref<1x125xi32, #tpu.memory_space<vmem>>
      %dma_wait3A_166 = tpu.memref_squeeze %dma_wait3A_165 : memref<1x125xi32, #tpu.memory_space<vmem>> -> memref<125xi32, #tpu.memory_space<vmem>>
      %dma_wait3A_167 = arith.constant 0 : i32
      %dma_wait3A_168 = tpu.memref_slice %arg12[%dma_wait3A_167] : memref<10240xf32, #tpu.memory_space<vmem_shared>> -> memref<10240xf32, #tpu.memory_space<vmem_shared>>
      tpu.wait_indirect_dma semaphore(%arg18 : memref<!tpu.dma_semaphore, #tpu.memory_space<semaphore_mem>>) src(%dma_wait3A_163 : memref<125xf32, #tpu.memory_space<vmem>>) dst(%dma_wait3A_168 : memref<10240xf32, #tpu.memory_space<vmem_shared>>)
      %dma_wait3A_169 = arith.constant 0 : i32
      %dma_wait3A_170 = arith.constant 0 : i32
      %dma_wait3A_171 = tpu.memref_slice %arg10[%dma_wait3A_170] : memref<128xf32, #tpu.memory_space<vmem>> -> memref<125xf32, #tpu.memory_space<vmem>>
      %dma_wait3A_172 = arith.constant 0 : i32
      %dma_wait3A_173 = tpu.memref_slice %arg6[%dma_wait3A_169, %dma_wait3A_172] : memref<2x125xi32, #tpu.memory_space<vmem>> -> memref<1x125xi32, #tpu.memory_space<vmem>>
      %dma_wait3A_174 = tpu.memref_squeeze %dma_wait3A_173 : memref<1x125xi32, #tpu.memory_space<vmem>> -> memref<125xi32, #tpu.memory_space<vmem>>
      %dma_wait3A_175 = arith.constant 0 : i32
      %dma_wait3A_176 = tpu.memref_slice %arg12[%dma_wait3A_175] : memref<10240xf32, #tpu.memory_space<vmem_shared>> -> memref<10240xf32, #tpu.memory_space<vmem_shared>>
      tpu.wait_indirect_dma semaphore(%arg18 : memref<!tpu.dma_semaphore, #tpu.memory_space<semaphore_mem>>) src(%dma_wait3A_171 : memref<125xf32, #tpu.memory_space<vmem>>) dst(%dma_wait3A_176 : memref<10240xf32, #tpu.memory_space<vmem_shared>>)
      %dma_wait3A_177 = arith.constant 0 : i32
      %dma_wait3A_178 = arith.constant 0 : i32
      %dma_wait3A_179 = tpu.memref_slice %arg10[%dma_wait3A_178] : memref<128xf32, #tpu.memory_space<vmem>> -> memref<125xf32, #tpu.memory_space<vmem>>
      %dma_wait3A_180 = arith.constant 0 : i32
      %dma_wait3A_181 = tpu.memref_slice %arg6[%dma_wait3A_177, %dma_wait3A_180] : memref<2x125xi32, #tpu.memory_space<vmem>> -> memref<1x125xi32, #tpu.memory_space<vmem>>
      %dma_wait3A_182 = tpu.memref_squeeze %dma_wait3A_181 : memref<1x125xi32, #tpu.memory_space<vmem>> -> memref<125xi32, #tpu.memory_space<vmem>>
      %dma_wait3A_183 = arith.constant 0 : i32
      %dma_wait3A_184 = tpu.memref_slice %arg12[%dma_wait3A_183] : memref<10240xf32, #tpu.memory_space<vmem_shared>> -> memref<10240xf32, #tpu.memory_space<vmem_shared>>
      tpu.wait_indirect_dma semaphore(%arg18 : memref<!tpu.dma_semaphore, #tpu.memory_space<semaphore_mem>>) src(%dma_wait3A_179 : memref<125xf32, #tpu.memory_space<vmem>>) dst(%dma_wait3A_184 : memref<10240xf32, #tpu.memory_space<vmem_shared>>)
      %dma_wait3A_185 = arith.constant 0 : i32
      %dma_wait3A_186 = arith.constant 0 : i32
      %dma_wait3A_187 = tpu.memref_slice %arg10[%dma_wait3A_186] : memref<128xf32, #tpu.memory_space<vmem>> -> memref<125xf32, #tpu.memory_space<vmem>>
      %dma_wait3A_188 = arith.constant 0 : i32
      %dma_wait3A_189 = tpu.memref_slice %arg6[%dma_wait3A_185, %dma_wait3A_188] : memref<2x125xi32, #tpu.memory_space<vmem>> -> memref<1x125xi32, #tpu.memory_space<vmem>>
      %dma_wait3A_190 = tpu.memref_squeeze %dma_wait3A_189 : memref<1x125xi32, #tpu.memory_space<vmem>> -> memref<125xi32, #tpu.memory_space<vmem>>
      %dma_wait3A_191 = arith.constant 0 : i32
      %dma_wait3A_192 = tpu.memref_slice %arg12[%dma_wait3A_191] : memref<10240xf32, #tpu.memory_space<vmem_shared>> -> memref<10240xf32, #tpu.memory_space<vmem_shared>>
      tpu.wait_indirect_dma semaphore(%arg18 : memref<!tpu.dma_semaphore, #tpu.memory_space<semaphore_mem>>) src(%dma_wait3A_187 : memref<125xf32, #tpu.memory_space<vmem>>) dst(%dma_wait3A_192 : memref<10240xf32, #tpu.memory_space<vmem_shared>>)
      %add3A_193 = arith.constant 2 : i32
      %add3A_194 = arith.addi %add3A_123, %add3A_193 : i32
      %lt3A_195 = arith.constant 40 : i32
      %lt3A_196 = arith.cmpi slt, %add3A_194, %lt3A_195 : i32
      %convert_element_type3A_197 = arith.extui %lt3A_196 : i1 to i32
      %cond3A_198 = arith.constant 0 : i32
      %cond3A_199 = arith.cmpi ne, %convert_element_type3A_197, %cond3A_198 : i32
      scf.if %cond3A_199 {
        %add3A_200 = arith.addi %mul3A_2, %add3A_123 : i32
        %add3A_201 = arith.constant 2 : i32
        %add3A_202 = arith.addi %add3A_200, %add3A_201 : i32
        %dma_start3A_203 = arith.constant 0 : i32
        %dma_start3A_204 = arith.constant 0 : i32
        %dma_start3A_205 = tpu.memref_slice %arg2[%add3A_202, %dma_start3A_203, %dma_start3A_204] : memref<1280x2x125xi32, #tpu.memory_space<hbm>> -> memref<1x2x125xi32, #tpu.memory_space<hbm>>
        %dma_start3A_206 = tpu.memref_squeeze %dma_start3A_205 : memref<1x2x125xi32, #tpu.memory_space<hbm>> -> memref<2x125xi32, #tpu.memory_space<hbm>>
        %dma_start3A_207 = arith.constant 0 : i32
        %dma_start3A_208 = arith.constant 0 : i32
        %dma_start3A_209 = tpu.memref_slice %arg2[%add3A_202, %dma_start3A_207, %dma_start3A_208] : memref<1280x2x125xi32, #tpu.memory_space<hbm>> -> memref<1x2x125xi32, #tpu.memory_space<hbm>>
        %dma_start3A_210 = tpu.memref_squeeze %dma_start3A_209 : memref<1x2x125xi32, #tpu.memory_space<hbm>> -> memref<2x125xi32, #tpu.memory_space<hbm>>
        tpu.enqueue_dma source(%dma_start3A_210 : memref<2x125xi32, #tpu.memory_space<hbm>>) target(%arg7 : memref<2x125xi32, #tpu.memory_space<vmem>>) target_semaphore(%arg15 : memref<!tpu.dma_semaphore, #tpu.memory_space<semaphore_mem>>)
        %add3A_211 = arith.addi %mul3A_2, %add3A_123 : i32
        %add3A_212 = arith.constant 2 : i32
        %add3A_213 = arith.addi %add3A_211, %add3A_212 : i32
        %dma_start3A_214 = arith.constant 0 : i32
        %dma_start3A_215 = arith.constant 0 : i32
        %dma_start3A_216 = tpu.memref_slice %arg3[%add3A_213, %dma_start3A_214, %dma_start3A_215] : memref<1280x2x125xi32, #tpu.memory_space<hbm>> -> memref<1x2x125xi32, #tpu.memory_space<hbm>>
        %dma_start3A_217 = tpu.memref_squeeze %dma_start3A_216 : memref<1x2x125xi32, #tpu.memory_space<hbm>> -> memref<2x125xi32, #tpu.memory_space<hbm>>
        %dma_start3A_218 = arith.constant 0 : i32
        %dma_start3A_219 = arith.constant 0 : i32
        %dma_start3A_220 = tpu.memref_slice %arg3[%add3A_213, %dma_start3A_218, %dma_start3A_219] : memref<1280x2x125xi32, #tpu.memory_space<hbm>> -> memref<1x2x125xi32, #tpu.memory_space<hbm>>
        %dma_start3A_221 = tpu.memref_squeeze %dma_start3A_220 : memref<1x2x125xi32, #tpu.memory_space<hbm>> -> memref<2x125xi32, #tpu.memory_space<hbm>>
        tpu.enqueue_dma source(%dma_start3A_221 : memref<2x125xi32, #tpu.memory_space<hbm>>) target(%arg9 : memref<2x125xi32, #tpu.memory_space<vmem>>) target_semaphore(%arg17 : memref<!tpu.dma_semaphore, #tpu.memory_space<semaphore_mem>>)
      } else {
      }
    }
    %scan3A_30 = arith.constant 20 : i32
    %barrier3A_31 = arith.constant 0 : index
    tpu.barrier barrier_id(%barrier3A_31)
    %mul3A_32 = arith.constant 10240 : i32
    %mul3A_33 = arith.muli %arg0, %mul3A_32 : i32
    %mul3A_34 = arith.constant 640 : i32
    %mul3A_35 = arith.muli %arg1, %mul3A_34 : i32
    %add3A_36 = arith.addi %mul3A_33, %mul3A_35 : i32
    %mul3A_37 = arith.constant 640 : i32
    %mul3A_38 = arith.muli %arg1, %mul3A_37 : i32
    "tpu.region"() ({
      %run_scoped3A = tpu.sem_alloc : memref<!tpu.dma_semaphore, #tpu.memory_space<semaphore_mem>>
      %dma_start3A = tpu.memref_slice %arg4[%add3A_36] : memref<20480xf32, #tpu.memory_space<hbm>> -> memref<640xf32, #tpu.memory_space<hbm>>
      %dma_start3A_41 = tpu.memref_slice %arg12[%mul3A_38] : memref<10240xf32, #tpu.memory_space<vmem_shared>> -> memref<640xf32, #tpu.memory_space<vmem_shared>>
      tpu.enqueue_dma source(%dma_start3A_41 : memref<640xf32, #tpu.memory_space<vmem_shared>>) target(%dma_start3A : memref<640xf32, #tpu.memory_space<hbm>>) target_semaphore(%run_scoped3A : memref<!tpu.dma_semaphore, #tpu.memory_space<semaphore_mem>>)
      %dma_wait3A = tpu.memref_slice %arg4[%add3A_36] : memref<20480xf32, #tpu.memory_space<hbm>> -> memref<640xf32, #tpu.memory_space<hbm>>
      %dma_wait3A_42 = tpu.memref_slice %arg12[%mul3A_38] : memref<10240xf32, #tpu.memory_space<vmem_shared>> -> memref<640xf32, #tpu.memory_space<vmem_shared>>
      tpu.wait_dma2 semaphore(%run_scoped3A : memref<!tpu.dma_semaphore, #tpu.memory_space<semaphore_mem>>) src(%dma_wait3A_42 : memref<640xf32, #tpu.memory_space<vmem_shared>>) dst(%dma_wait3A : memref<640xf32, #tpu.memory_space<hbm>>)
      tpu.yield
    }) : () -> ()
    %mul3A_39 = arith.constant 640 : i32
    %mul3A_40 = arith.muli %arg1, %mul3A_39 : i32
    "tpu.region"() ({
      %run_scoped3A = tpu.sem_alloc : memref<!tpu.dma_semaphore, #tpu.memory_space<semaphore_mem>>
      %dma_start3A = tpu.memref_slice %arg5[%add3A_36] : memref<20480xf32, #tpu.memory_space<hbm>> -> memref<640xf32, #tpu.memory_space<hbm>>
      %dma_start3A_41 = tpu.memref_slice %arg13[%mul3A_40] : memref<10240xf32, #tpu.memory_space<vmem_shared>> -> memref<640xf32, #tpu.memory_space<vmem_shared>>
      tpu.enqueue_dma source(%dma_start3A_41 : memref<640xf32, #tpu.memory_space<vmem_shared>>) target(%dma_start3A : memref<640xf32, #tpu.memory_space<hbm>>) target_semaphore(%run_scoped3A : memref<!tpu.dma_semaphore, #tpu.memory_space<semaphore_mem>>)
      %dma_wait3A = tpu.memref_slice %arg5[%add3A_36] : memref<20480xf32, #tpu.memory_space<hbm>> -> memref<640xf32, #tpu.memory_space<hbm>>
      %dma_wait3A_42 = tpu.memref_slice %arg13[%mul3A_40] : memref<10240xf32, #tpu.memory_space<vmem_shared>> -> memref<640xf32, #tpu.memory_space<vmem_shared>>
      tpu.wait_dma2 semaphore(%run_scoped3A : memref<!tpu.dma_semaphore, #tpu.memory_space<semaphore_mem>>) src(%dma_wait3A_42 : memref<640xf32, #tpu.memory_space<vmem_shared>>) dst(%dma_wait3A : memref<640xf32, #tpu.memory_space<hbm>>)
      tpu.yield
    }) : () -> ()
    return
  }
}

</mosaic_0001>

<sc_bundles>
// kernel: _sc_degrees.3.cloned.1.call-start
scs
__scs_entry_jumppad:
0x0: {  	(pc) =	sbr.rel $0x88, $3  }
0x1: {  	(tag) =	ssettag $0x0;
	lr =	simm.s32 $0x1  }
0x2: {  	[smem:$0x3F9F] =	sst lr;
	_ =	strace $0xD0000000  }
0x3: {  	_ = 	snop  }
0x4: {  	_ = 	snop  }
0x5: {  	_ = 	snop  }
0x6: {  	_ = 	snop  }
0x7: {  	_ = 	snop  }
__scs_overlays_trampoline_lowered:
0x8: {  	[smem:$0x3FAE] =	sst s0  }
0x9: {  	[smem:$0x3FAF] =	sst s1  }
0xa: {  	[smem:$0x3FB0] =	sst s2  }
0xb: {  	[smem:$0x3FB1] =	sst s3  }
0xc: {  	[smem:$0x3FB2] =	sst s4  }
0xd: {  	[smem:$0x3FB3] =	sst s5  }
0xe: {  	[smem:$0x3FB4] =	sst s6  }
0xf: {  	[smem:$0x3FB5] =	sst s7  }
0x10: {  	[smem:$0x3FB6] =	sst s8  }
0x11: {  	[smem:$0x3FB7] =	sst s9;
	s0 =	simm.s32 @!p0 $0x0  }
0x12: {  	s1 =	sld [smem:$0x3F9D];
	s0 =	simm.s32 @p0 $0x1  }
0x13: {  	[smem:$0x3FB8] =	sst s0;
	s0 =	simm.s32 @!p1 $0x0  }
0x14: {  	s2 =	sld [smem:$0x3F9C];
	s0 =	simm.s32 @p1 $0x1  }
0x15: {  	[smem:$0x3FB9] =	sst s0;
	s0 =	simm.s32 @!p2 $0x0  }
0x16: {  	s3 =	sld [smem:$0x3FDB];
	s0 =	simm.s32 @p2 $0x1  }
0x17: {  	s4 =	simm.s32 $0x1BF5;
	[smem:$0x3FBB] =	sst s0  }
0x18: {  	s0 =	sld [smem:$0x3F9E];
	_ =	swait.ge [sflag:s4], $0x0  }
0x19: {  	s7 =	sld [smem:$0x3F9F]  }
0x1a: {  	s8 =	sadd.s32 $0xFFFFE003, lr  }
0x1b: {  	s9 =	sadd.s32 $0xFFFFFEF7, lr;
	s5 =	simm.s32 $0xFFFFFFFF;
	p2 =	slt.u32 s8, $0xFFFFF086  }
0x1c: {  	p1 =	slt.u32 s9, $0xF7A;
	s5 =	simm.s32 @!p2 $0x0  }
0x1d: {  	s5 =	simm.s32 @p1 $0x1;
	p0 =	seq.s32 s7, s2  }
0x1e: {  	s7 =	smul.u32 @!p0 $0xF7A, s2;
	p2 =	seq.s32 @!p0 s5, $0x0  }
0x1f: {  	s9 =	smul.u32 $0xF7A, s1;
	s8 =	simm.s32 @!p0 $0x1BF5;
	p2 =	por !p2, p0  }
0x20: {  	[sflag:s8] =	ssyncset.s32 @!p0 $0xFFFFF086;
	s6 =	sadd.s32 @!p0 s3, s7;
	s7 =	simm.s32 @!p0 $0x108  }
0x21: {  	s3 =	sadd.s32 s3, s9;
	s6 =	sadd.s32 @!p0 $0x88, s6;
	s7 =	simm.s32 @p2 $0x1082  }
0x22: {  	[simem:s7], [sflag:s8] =	dma.local @!p0 [hbm:s6], $0xF7A  }
0x23: {  	s9 =	sor.u32 $0xD0000000, s2;
	s6 =	simm.s32 $0x108;
	_ =	swait.ge @!p0 [sflag:s8], $0x0  }
0x24: {  	s3 =	sadd.s32 $0x88, s3;
	s6 =	simm.s32 @!p1 $0x1082;
	[sflag:s4] =	ssyncset.s32 $0xFFFFF086  }
0x25: {  	[simem:s6], [sflag:s4] =	dma.local [hbm:s3], $0xF7A  }
0x26: {  	[smem:$0x3F9F] =	sst s1;
	(tag) =	ssettag s2;
	_ =	strace s9  }
0x27: {  	s1 =	sld [smem:$0x3FAF]  }
0x28: {  	s2 =	sld [smem:$0x3FB0]  }
0x29: {  	s4 =	sld [smem:$0x3FB2]  }
0x2a: {  	p0 =	seq.s32 s5, $0x0;
	s5 =	sld [smem:$0x3FB3]  }
0x2b: {  	s6 =	sld [smem:$0x3FB4]  }
0x2c: {  	s7 =	sld [smem:$0x3FB5]  }
0x2d: {  	s3 =	simm.s32 $0x108;
	s8 =	sld [smem:$0x3FB6]  }
0x2e: {  	s3 =	simm.s32 @!p0 $0x1082;
	s9 =	sld [smem:$0x3FB7]  }
0x2f: {  	lr =	sadd.s32 s0, s3;
	s0 =	sld [smem:$0x3FAE]  }
0x30: {  	s3 =	sld [smem:$0x3FB1]  }
0x31: {  	[smem:$0x3FBA] =	sst s10  }
0x32: {  	s10 =	sld [smem:$0x3FB8];
	_ =	sdelay $0x3  }
0x33: {  	p0 =	seq.s32 s10, $0x1;
	s10 =	sld [smem:$0x3FBA];
	_ =	sdelay $0x3  }
0x34: {  	[smem:$0x3FBA] =	sst s10  }
0x35: {  	s10 =	sld [smem:$0x3FB9];
	_ =	sdelay $0x3  }
0x36: {  	p1 =	seq.s32 s10, $0x1;
	s10 =	sld [smem:$0x3FBA];
	_ =	sdelay $0x3  }
0x37: {  	[smem:$0x3FBA] =	sst s10  }
0x38: {  	s10 =	sld [smem:$0x3FBB]  }
0x39: {  	_ = 	snop;
	(pc) =	sbr.ind lr, $3  }
0x3a: {  	_ = 	snop  }
0x3b: {  	_ = 	snop  }
0x3c: {  	p2 =	seq.s32 s10, $0x1;
	s10 =	sld [smem:$0x3FBA]  }
0x3d: {  	_ =	shalt  }
0x3e: {  	_ =	shalt  }
0x3f: {  	_ =	shalt  }
0x40: {  	_ =	shalt  }
0x41: {  	_ =	shalt  }
0x42: {  	_ =	shalt  }
0x43: {  	_ =	shalt  }
0x44: {  	_ =	shalt  }
0x45: {  	_ =	shalt  }
0x46: {  	_ =	shalt  }
0x47: {  	_ =	shalt  }
0x48: {  	_ =	shalt  }
0x49: {  	_ =	shalt  }
0x4a: {  	_ =	shalt  }
0x4b: {  	_ =	shalt  }
0x4c: {  	_ =	shalt  }
0x4d: {  	_ =	shalt  }
0x4e: {  	_ =	shalt  }
0x4f: {  	_ =	shalt  }
0x50: {  	_ =	shalt  }
0x51: {  	_ =	shalt  }
0x52: {  	_ =	shalt  }
0x53: {  	_ =	shalt  }
0x54: {  	_ =	shalt  }
0x55: {  	_ =	shalt  }
0x56: {  	_ =	shalt  }
0x57: {  	_ =	shalt  }
0x58: {  	_ =	shalt  }
0x59: {  	_ =	shalt  }
0x5a: {  	_ =	shalt  }
0x5b: {  	_ =	shalt  }
0x5c: {  	_ =	shalt  }
0x5d: {  	_ =	shalt  }
0x5e: {  	_ =	shalt  }
0x5f: {  	_ =	shalt  }
0x60: {  	_ =	shalt  }
0x61: {  	_ =	shalt  }
0x62: {  	_ =	shalt  }
0x63: {  	_ =	shalt  }
0x64: {  	_ =	shalt  }
0x65: {  	_ =	shalt  }
0x66: {  	_ =	shalt  }
0x67: {  	_ =	shalt  }
0x68: {  	_ =	shalt  }
0x69: {  	_ =	shalt  }
0x6a: {  	_ =	shalt  }
0x6b: {  	_ =	shalt  }
0x6c: {  	_ =	shalt  }
0x6d: {  	_ =	shalt  }
0x6e: {  	_ =	shalt  }
0x6f: {  	_ =	shalt  }
0x70: {  	_ =	shalt  }
0x71: {  	_ =	shalt  }
0x72: {  	_ =	shalt  }
0x73: {  	_ =	shalt  }
0x74: {  	_ =	shalt  }
0x75: {  	_ =	shalt  }
0x76: {  	_ =	shalt  }
0x77: {  	_ =	shalt  }
0x78: {  	_ =	shalt  }
0x79: {  	_ =	shalt  }
0x7a: {  	_ =	shalt  }
0x7b: {  	_ =	shalt  }
0x7c: {  	_ =	shalt  }
0x7d: {  	_ =	shalt  }
0x7e: {  	_ =	shalt  }
0x7f: {  	_ =	shalt  }
0x80: {  	_ =	shalt  }
0x81: {  	_ =	shalt  }
0x82: {  	_ =	shalt  }
0x83: {  	_ =	shalt  }
0x84: {  	_ =	shalt  }
0x85: {  	_ =	shalt  }
0x86: {  	_ =	shalt  }
0x87: {  	_ =	shalt  }
.Lfunc_end0:
.L_simem_size_0:
called_computation_lowered:
.L_overlay_start_0:
0x88: {  	s2 =	sld [smem:$0x3FD9]  }
0x89: {  	s3 =	sld [smem:$0x3FFE];
	_ =	sdelay $0x1  }
0x8a: {  	s1 =	srdreg.scid  }
0x8b: {  	s0 =	sand.u32 $0x1, s1  }
0x8c: {  	s14 =	sshll.u32 s0, $0xA;
	s2 =	sadd.s32 s3, s2  }
0x8d: {  	s2 =	sadd.s32 s2, s14  }
0x8e: {  	[smem:$0x3FC6] =	sst s2  }
0x8f: {  	_ = 	snop  }
0x90: {  	s2 =	sld [smem:$0x3FD0];
	_ =	sdelay $0x2  }
0x91: {  	s15 =	simm.s32 $0xA;
	s4 =	simm.s32 $0x10  }
0x92: {  	[smem:s4], [sflag:s15] =	dma.local [hbm:s2], $0x1  }
0x93: {  	_ =	swait.eq [sflag:s15], $0x1  }
0x94: {  	[sflag:s15] =	ssyncset.done $0x0  }
0x95: {  	s16 =	sld [smem:$0x10];
	[sflag:s15] =	ssyncadd.s32 $0xFFFFFFFF  }
0x96: {  	s17 =	sld [smem:$0x11];
	(tm) =	ssettm $0x1  }
0x97: {  	s18 =	sld [smem:$0x3FFB];
	_ =	sdelay $0x3  }
0x98: {  	_ =	strace s18  }
0x99: {  	s4 =	sld [smem:$0x3FFC];
	_ =	sdelay $0x3  }
0x9a: {  	_ =	strace s4  }
0x9b: {  	s4 =	sld [smem:$0x3FFD];
	_ =	sdelay $0x3  }
0x9c: {  	_ =	strace s4  }
0x9d: {  	_ =	strace $0x8FFFFFFF  }
0x9e: {  	s19 =	sld [smem:$0x3FDB];
	_ =	sdelay $0x1  }
0x9f: {  	s5 =	simm.s32 $_scs_section_size  }
0xa0: {  	s6 =	simm.s32 $_size__tile_overlayer_lowered;
	s7 =	simm.s32 $_tile_overlayer_lowered  }
0xa1: {  	s22 =	simm.s32 $0x1BFF;
	s21 =	sshll.u32 s7, $0x1;
	s4 =	sadd.s32 s5, s19  }
0xa2: {  	s8 =	simm.s32 $0x0;
	s20 =	sshll.u32 s6, $0x1;
	s6 =	sadd.s32 s21, s4  }
0xa3: {  	[timem:s8], [sflag:s22] =	dma.local [hbm:s6], s20  }
0xa4: {  	_ =	swait.ge [sflag:s22], s20  }
0xa5: {  	s5 =	ssub.s32 $0x0, s20;
	[sflag:s22] =	ssyncset.done $0x0  }
0xa6: {  	[sflag:s22] =	ssyncadd.s32 s5;
	_ =	sdelay $0x1  }
0xa7: {  	s23 =	simm.s32 $0x1B8B  }
0xa8: {  	_ =	swait.ge [sflag:s23], $0x1  }
0xa9: {  	[sflag:s23] =	ssyncset.done $0x0  }
0xaa: {  	s25 =	simm.s32 $0x1B8E;
	s24 =	sld [smem:$0x3FFE];
	[sflag:s23] =	ssyncadd.s32 $0xFFFFFFFF  }
0xab: {  	s26 =	simm.s32 $execute0_lowered;
	[smem:$0x3FD2] =	sst s25  }
0xac: {  	s6 =	sshll.u32 s26, $0x1;
	_ =	strace $0x80000046;
	[dreg:$0x1] =	wrdreg $0xFFFFFFFF  }
0xad: {  	s28 =	simm.s32 $_size_execute0_lowered;
	s4 =	sadd.s32 s4, s6;
	[dreg:$0x0] =	wrdreg $0x0  }
0xae: {  	s6 =	sshll.u32 s28, $0x1;
	[dreg:$0x2] =	wrdreg s4  }
0xaf: {  	[dreg:$0x3] =	wrdreg s6  }
0xb0: {  	[dreg:$0x4] =	wrdreg $0xC0  }
0xb1: {  	_ =	task [dreg:s8], $0x5FFFF  }
0xb2: {  	[dreg:$0x1] =	wrdreg $0xFFFFFFFF  }
0xb3: {  	[dreg:$0x0] =	wrdreg $0x60  }
0xb4: {  	[dreg:$0x2] =	wrdreg s24  }
0xb5: {  	[dreg:$0x3] =	wrdreg s16  }
0xb6: {  	[dreg:$0x4] =	wrdreg s17  }
0xb7: {  	[dreg:$0x5] =	wrdreg $0x7000  }
0xb8: {  	[dreg:$0x6] =	wrdreg $0x9800  }
0xb9: {  	[dreg:$0x7] =	wrdreg $0x9  }
0xba: {  	_ =	task.clear_ibuf [dreg:s8], $0x8FFFF;
	_ =	strace $0x90000046  }
0xbb: {  	s29 =	simm.s32 $0x9;
	_ =	strace $0x80000048  }
0xbc: {  	_ =	swait.ge [sflag:s29], $0x1  }
0xbd: {  	[sflag:s29] =	ssyncadd.s32 $0xFFFFFFFF  }
0xbe: {  	_ =	strace $0x90000048  }
0xbf: {  	_ =	sfence  }
0xc0: {  	s30 =	sld [smem:$0x0];
	_ =	sdelay $0x2  }
0xc1: {  	s31 =	sshll.u32 s1, $0xD;
	s1 =	sshrl.u32 s1, $0x2  }
0xc2: {  	s3 =	sand.u32 $0x4000, s31;
	s1 =	sadd.s32 s1, s30  }
0xc3: {  	s0 =	sor.u32 s3, s0;
	s1 =	sshll.u32 s1, $0x11  }
0xc4: {  	s0 =	sor.u32 s1, s0  }
0xc5: {  	s0 =	sadd.s32 $0x8F2B, s0  }
0xc6: {  	[sflag:s0] =	ssyncadd.remote.s32 $0x1  }
0xc7: {  	_ =	sfence.sel $0xFFFF  }
0xc8: {  	[dreg:$0x0] =	wrdreg $0xFFFFFFFF;
	(pc) =	sbr.abs _section_cstart, $3  }
0xc9: {  	[dreg:$0x1] =	wrdreg $0xFFFFFFFF  }
0xca: {  	_ =	task.clear_ibuf [dreg:s8], $0x2FFFF;
	_ =	strace $0x9FFFFFFF  }
0xcb: {  	(tm) =	ssettm $0x7FFFFFFF  }
tec
execute0_lowered:
.L_overlay_start_1:
0x0: {  	(tag) =	ssettag $0x1  }
0x1: {  	s0 =	rddreg [dreg:$0x0]  }
0x2: {  	s3 =	rddreg [dreg:$0x1]  }
0x3: {  	s10 =	rddreg [dreg:$0x2]  }
0x4: {  	s1 =	rddreg [dreg:$0x3]  }
0x5: {  	s2 =	rddreg [dreg:$0x4]  }
0x6: {  	s4 =	srdreg.scid;
	s15 =	stileid.u32  }
0x7: {  	s28 =	simm.s32 $0x280;
	s29 =	simm.s32 $0x5;
	s30 =	simm.s32 $0x180  }
0x8: {  	s31 =	simm.s32 $0x380;
	s11 =	sand.u32 $0x1, s4;
	s4 =	simm.s32 $0x0  }
0x9: {  	s6 =	sadd.s32 $0x800, s0;
	s13 =	smul.u32 $0x280, s15;
	s7 =	sadd.s32 $0xA800, s0  }
0xa: {  	s24 =	smul.u32 $0x500, s15;
	s0 =	simm.s32 $0x2;
	s5 =	sshll.u32 s11, $0x4  }
0xb: {  	[smem:$0x7FF] =	sst s4;
	s9 =	ssub.s32 $0x2, s11;
	s14 =	smul.u32 $0x2800, s11  }
0xc: {  	s11 =	smul.u32 $0x5000, s11;
	s8 =	sor.u32 s15, s5;
	s12 =	sshrl.u32 s9, $0x1  }
0xd: {  	_ =	strace $0x80000047;
	s5 =	smul.u32 $0x28, s8;
	s19 =	ssub.s32 s9, s12  }
0xe: {  	s20 =	smul.u32 $0x500, s8;
	s8 =	sadd.s32 s13, s1;
	s9 =	sadd.s32 s13, s2  }
0xf: {  	s13 =	sadd.s32 s13, s14;
	s25 =	sadd.s32 s11, s6;
	s11 =	sadd.s32 s11, s7  }
0x10: {  	s23 =	sshrl.u32 s13, $0x3;
	s26 =	sadd.s32 s24, s11;
	s16 =	sadd.s32 s6, s20  }
0x11: {  	s21 =	sadd.s32 s7, s20;
	s12 =	sor.u32 $0x20, s20;
	s3 =	sadd.s32 s3, s23  }
0x12: {  	s10 =	sadd.s32 s10, s23;
	s18 =	sadd.s32 $0x40, s26;
	[dreg:$0x6] =	wrdreg s16  }
0x13: {  	s20 =	simm.s32 $0x6;
	s23 =	simm.s32 $0x300;
	[dreg:$0x7] =	wrdreg s21  }
0x14: {  	s26 =	simm.s32 $0x80;
	s22 =	sadd.s32 s6, s12;
	[dreg:$0xa] =	wrdreg s3  }
.Ltmp0:
0x15: {  	s12 =	sadd.s32 s7, s12;
	[dreg:$0xb] =	wrdreg s10;
	(pc) =	sbr.rel .LBB2_1-.Ltmp0, $4  }
0x16: {  	s3 =	sadd.s32 s24, s25;
	s16 =	smax.u32 s19, $0x1;
	s19 =	simm.s32 $0x480  }
0x17: {  	s21 =	simm.s32 $0x200;
	s24 =	simm.s32 $0x7D;
	[dreg:$0x8] =	wrdreg s22  }
0x18: {  	s25 =	simm.s32 $0x400;
	s10 =	simm.s32 $0x0;
	[dreg:$0x9] =	wrdreg s12  }
0x19: {  	v0 =	vimm.f32 $0.0e+00;
	v1 =	vimm.f32 $1.000000000e+00;
	s17 =	sadd.s32 $0x40, s3;
	s22 =	simm.s32 $0x100;
	s3 =	simm.s32 $0x4  }
.LBB2_6:
0x1a: {  	s11 =	stileid.u32  }
0x1b: {  	[bflag:$0x0] =	sbarrier.arrive $0xFFFF;
	s11 =	sshll.u32 s11, $0x6  }
0x1c: {  	s12 =	sshrl.u32 s8, $0x3;
	s13 =	rddreg [dreg:$0xa];
	s11 =	sor.u32 $0x1C06, s11  }
0x1d: {  	[hbm:s13], [sflag:s11] =	dma.local [spmem:s12], $0x50  }
0x1e: {  	s10 =	sadd.s32 $0x1, s10;
	_ =	swait.ge [sflag:s20], $0x50  }
0x1f: {  	s14 =	sshrl.u32 s9, $0x3;
	p0 =	sne.s32 s10, s16;
	[sflag:s20] =	ssyncset.done $0x0  }
.Ltmp1:
0x20: {  	s15 =	rddreg [dreg:$0xb];
	[sflag:s20] =	ssyncadd.s32 $0xFFFFFFB0;
	(pc) =	sbr.rel @!p0 .LBB2_7-.Ltmp1, $4  }
0x21: {  	[hbm:s15], [sflag:s11] =	dma.local [spmem:s14], $0x50  }
0x22: {  	_ =	swait.ge [sflag:s20], $0x50  }
0x23: {  	[sflag:s20] =	ssyncset.done $0x0  }
0x24: {  	[sflag:s20] =	ssyncadd.s32 $0xFFFFFFB0  }
.LBB2_1:
0x25: {  	[tilespmem:$0x480] =	vst v0  }
0x26: {  	[tilespmem:$0x490] =	vst v0  }
0x27: {  	[tilespmem:$0x4A0] =	vst v0  }
0x28: {  	[tilespmem:$0x4B0] =	vst v0  }
0x29: {  	[tilespmem:$0x4C0] =	vst v0  }
0x2a: {  	[tilespmem:$0x4D0] =	vst v0  }
0x2b: {  	[tilespmem:$0x4E0] =	vst v0  }
0x2c: {  	[tilespmem:$0x4F0] =	vst v0  }
0x2d: {  	[tilespmem:$0x500] =	vst v0  }
0x2e: {  	[tilespmem:$0x510] =	vst v0  }
0x2f: {  	[tilespmem:$0x520] =	vst v0  }
0x30: {  	[tilespmem:$0x530] =	vst v0  }
0x31: {  	[tilespmem:$0x540] =	vst v0  }
0x32: {  	[tilespmem:$0x550] =	vst v0  }
0x33: {  	[tilespmem:$0x560] =	vst v0  }
0x34: {  	[tilespmem:$0x570] =	vst v0  }
0x35: {  	[tilespmem:$0x580] =	vst v0  }
0x36: {  	[tilespmem:$0x590] =	vst v0  }
0x37: {  	[tilespmem:$0x5A0] =	vst v0  }
0x38: {  	[tilespmem:$0x5B0] =	vst v0  }
0x39: {  	[tilespmem:$0x5C0] =	vst v0  }
0x3a: {  	[tilespmem:$0x5D0] =	vst v0  }
0x3b: {  	[tilespmem:$0x5E0] =	vst v0  }
0x3c: {  	[tilespmem:$0x5F0] =	vst v0  }
0x3d: {  	[tilespmem:$0x600] =	vst v0  }
0x3e: {  	[tilespmem:$0x610] =	vst v0  }
0x3f: {  	[tilespmem:$0x620] =	vst v0  }
0x40: {  	[tilespmem:$0x630] =	vst v0  }
0x41: {  	[tilespmem:$0x640] =	vst v0  }
0x42: {  	[tilespmem:$0x650] =	vst v0  }
0x43: {  	[tilespmem:$0x660] =	vst v0  }
0x44: {  	[tilespmem:$0x670] =	vst v0  }
0x45: {  	[tilespmem:$0x680] =	vst v0  }
0x46: {  	[tilespmem:$0x690] =	vst v0  }
0x47: {  	[tilespmem:$0x6A0] =	vst v0  }
0x48: {  	[tilespmem:$0x6B0] =	vst v0  }
0x49: {  	[tilespmem:$0x6C0] =	vst v0  }
0x4a: {  	[tilespmem:$0x6D0] =	vst v0  }
0x4b: {  	[tilespmem:$0x6E0] =	vst v0  }
0x4c: {  	[tilespmem:$0x6F0] =	vst v0  }
0x4d: {  	[spmem:s8] =	stream.linear.scatter [tilespmem:s19], [sflag:$0x6], $0x280, $0x38;
	[tilespmem:$0xC00] =	vst v63  }
0x4e: {  	_ =	swait.ge [sflag:s20], $0x280  }
0x4f: {  	[sflag:s20] =	ssyncset.done $0x0  }
0x50: {  	[sflag:s20] =	ssyncadd.s32 $0xFFFFFD80  }
0x51: {  	[spmem:s9] =	stream.linear.scatter [tilespmem:s19], [sflag:$0x6], $0x280, $0x38;
	[tilespmem:$0xC00] =	vst v63  }
0x52: {  	_ =	swait.ge [sflag:s20], $0x280  }
0x53: {  	[sflag:s20] =	ssyncset.done $0x0  }
0x54: {  	[sflag:s20] =	ssyncadd.s32 $0xFFFFFD80  }
0x55: {  	[tilespmem:$0x400] =	vst v1  }
0x56: {  	[tilespmem:$0x410] =	vst v1  }
0x57: {  	[tilespmem:$0x420] =	vst v1  }
0x58: {  	[tilespmem:$0x430] =	vst v1  }
0x59: {  	[tilespmem:$0x440] =	vst v1  }
0x5a: {  	[tilespmem:$0x450] =	vst v1  }
0x5b: {  	[tilespmem:$0x460] =	vst v1  }
0x5c: {  	s11 =	rddreg [dreg:$0x6];
	[tilespmem:$0x470] =	vst v1  }
0x5d: {  	[tilespmem:s4], [sflag:$0x6] =	stream.linear.gather [hbm4b:s11+s4], $0x100, $0x38;
	[tilespmem:$0xC00] =	vst v63  }
0x5e: {  	_ =	swait.ge [sflag:s20], $0x100  }
0x5f: {  	[sflag:s20] =	ssyncset.done $0x0  }
0x60: {  	s13 =	rddreg [dreg:$0x7];
	[sflag:s20] =	ssyncadd.s32 $0xFFFFFF00  }
0x61: {  	[tilespmem:s21], [sflag:$0x6] =	stream.linear.gather [hbm4b:s13+s4], $0x100, $0x38;
	[tilespmem:$0xC00] =	vst v63  }
0x62: {  	_ =	swait.ge [sflag:s20], $0x100  }
0x63: {  	[sflag:s20] =	ssyncset.done $0x0  }
0x64: {  	s14 =	rddreg [dreg:$0x8];
	[sflag:s20] =	ssyncadd.s32 $0xFFFFFF00  }
0x65: {  	[tilespmem:s22], [sflag:$0x6] =	stream.linear.gather [hbm4b:s14+s4], $0x100, $0x38;
	[tilespmem:$0xC00] =	vst v63  }
0x66: {  	_ =	swait.ge [sflag:s20], $0x100  }
0x67: {  	[sflag:s20] =	ssyncset.done $0x0  }
0x68: {  	s15 =	rddreg [dreg:$0x9];
	[sflag:s20] =	ssyncadd.s32 $0xFFFFFF00  }
0x69: {  	[tilespmem:s23], [sflag:$0x6] =	stream.linear.gather [hbm4b:s15+s4], $0x100, $0x38;
	[tilespmem:$0xC00] =	vst v63  }
0x6a: {  	_ =	swait.ge [sflag:s20], $0x100  }
0x6b: {  	[sflag:s20] =	ssyncset.done $0x0  }
0x6c: {  	[sflag:s20] =	ssyncadd.s32 $0xFFFFFF00  }
0x6d: {  	s12 =	simm.s32 $0x0;
	s13 =	simm.s32 $0x1;
	[bflag:$0x0] =	sbarrier.arrive $0xFFFF  }
.LBB2_2:
0x6e: {  	p0 =	seq.s32 s12, $0x0  }
0x6f: {  	s11 =	simm.s32 @!p0 $0x1  }
0x70: {  	_ =	swait.ge @!p0 [sflag:s11], $0x100  }
0x71: {  	[sflag:s11] =	ssyncset.done @!p0 $0x0  }
0x72: {  	[sflag:s11] =	ssyncadd.s32 @!p0 $0xFFFFFF00;
	s11 =	simm.s32 @!p0 $0x3  }
0x73: {  	_ =	swait.ge @!p0 [sflag:s11], $0x100  }
0x74: {  	[sflag:s11] =	ssyncset.done @!p0 $0x0  }
0x75: {  	[sflag:s11] =	ssyncadd.s32 @!p0 $0xFFFFFF00  }
0x76: {  	[spmem:s1] =	stream.indirect.scatter.add.f32 [tilespmem:s25], [sflag:$0x5], $0x1, s4, s24, $0xb8;
	[tilespmem:$0xC00] =	vst v63  }
0x77: {  	_ = 	snop  }
0x78: {  	[spmem:s2] =	stream.indirect.scatter.add.f32 [tilespmem:s25], [sflag:$0x5], $0x1, s21, s24, $0xb8;
	[tilespmem:$0xC00] =	vst v63  }
0x79: {  	_ = 	snop  }
0x7a: {  	[spmem:s1] =	stream.indirect.scatter.add.f32 [tilespmem:s25], [sflag:$0x5], $0x1, s26, s24, $0xb8;
	[tilespmem:$0xC00] =	vst v63  }
0x7b: {  	_ = 	snop  }
0x7c: {  	[spmem:s2] =	stream.indirect.scatter.add.f32 [tilespmem:s25], [sflag:$0x5], $0x1, s28, s24, $0xb8;
	[tilespmem:$0xC00] =	vst v63  }
0x7d: {  	_ =	swait.ge [sflag:s29], $0x7D  }
0x7e: {  	[sflag:s29] =	ssyncset.done $0x0  }
0x7f: {  	[sflag:s29] =	ssyncadd.s32 $0xFFFFFF83  }
0x80: {  	_ =	swait.ge [sflag:s29], $0x7D  }
0x81: {  	[sflag:s29] =	ssyncset.done $0x0  }
0x82: {  	[sflag:s29] =	ssyncadd.s32 $0xFFFFFF83  }
0x83: {  	_ =	swait.ge [sflag:s29], $0x7D  }
0x84: {  	[sflag:s29] =	ssyncset.done $0x0  }
0x85: {  	p0 =	seq.s32 s12, $0x4C0;
	[sflag:s29] =	ssyncadd.s32 $0xFFFFFF83  }
0x86: {  	p1 =	seq.s32 @!p0 s12, $0x0;
	_ =	swait.ge [sflag:s29], $0x7D  }
0x87: {  	s11 =	sadd.s32 @!p0 s12, s17;
	p1 =	por p0, !p1;
	[sflag:s29] =	ssyncset.done $0x0  }
.Ltmp2:
0x88: {  	s14 =	simm.s32 @!p0 $0x0;
	[sflag:s29] =	ssyncadd.s32 $0xFFFFFF83;
	(pc) =	sbr.rel @!p1 .LBB2_4-.Ltmp2, $4  }
0x89: {  	[tilespmem:s14], [sflag:$0x1] =	stream.linear.gather @!p0 [hbm4b:s11+s14], $0x100, $0x38;
	[tilespmem:$0xC00] =	vst v63  }
0x8a: {  	s15 =	simm.s32 @!p0 $0x200;
	s11 =	sadd.s32 @!p0 s12, s18  }
0x8b: {  	[tilespmem:s15], [sflag:$0x3] =	stream.linear.gather @!p0 [hbm4b:s11+s14], $0x100, $0x38;
	[tilespmem:$0xC00] =	vst v63  }
0x8c: {  	s11 =	smov.u32 s13  }
0x8d: {  	_ =	swait.ge [sflag:s0], $0x100  }
0x8e: {  	[sflag:s0] =	ssyncset.done $0x0  }
0x8f: {  	[sflag:s0] =	ssyncadd.s32 $0xFFFFFF00  }
0x90: {  	_ =	swait.ge [sflag:s3], $0x100  }
0x91: {  	s11 =	smov.u32 s13;
	[sflag:s3] =	ssyncset.done $0x0  }
0x92: {  	s11 =	simm.s32 @p0 $0x27;
	[sflag:s3] =	ssyncadd.s32 $0xFFFFFF00  }
.LBB2_4:
0x93: {  	[spmem:s1] =	stream.indirect.scatter.add.f32 [tilespmem:s25], [sflag:$0x5], $0x1, s22, s24, $0xb8;
	[tilespmem:$0xC00] =	vst v63  }
0x94: {  	_ = 	snop  }
0x95: {  	[spmem:s2] =	stream.indirect.scatter.add.f32 [tilespmem:s25], [sflag:$0x5], $0x1, s23, s24, $0xb8;
	[tilespmem:$0xC00] =	vst v63  }
0x96: {  	_ = 	snop  }
0x97: {  	[spmem:s1] =	stream.indirect.scatter.add.f32 [tilespmem:s25], [sflag:$0x5], $0x1, s30, s24, $0xb8;
	[tilespmem:$0xC00] =	vst v63  }
0x98: {  	_ = 	snop  }
0x99: {  	[spmem:s2] =	stream.indirect.scatter.add.f32 [tilespmem:s25], [sflag:$0x5], $0x1, s31, s24, $0xb8;
	[tilespmem:$0xC00] =	vst v63  }
0x9a: {  	_ =	swait.ge [sflag:s29], $0x7D  }
0x9b: {  	[sflag:s29] =	ssyncset.done $0x0  }
0x9c: {  	[sflag:s29] =	ssyncadd.s32 $0xFFFFFF83  }
0x9d: {  	_ =	swait.ge [sflag:s29], $0x7D  }
0x9e: {  	[sflag:s29] =	ssyncset.done $0x0  }
0x9f: {  	[sflag:s29] =	ssyncadd.s32 $0xFFFFFF83  }
0xa0: {  	_ =	swait.ge [sflag:s29], $0x7D  }
.Ltmp3:
0xa1: {  	[sflag:s29] =	ssyncset.done $0x0;
	(pc) =	sbr.rel @p0 .LBB2_6-.Ltmp3, $4  }
0xa2: {  	[sflag:s29] =	ssyncadd.s32 $0xFFFFFF83  }
0xa3: {  	_ =	swait.ge [sflag:s29], $0x7D  }
0xa4: {  	[sflag:s29] =	ssyncset.done $0x0  }
0xa5: {  	[sflag:s29] =	ssyncadd.s32 $0xFFFFFF83  }
0xa6: {  	s11 =	sadd.s32 s5, s11  }
0xa7: {  	s11 =	sshll.u32 s11, $0x5  }
.Ltmp4:
0xa8: {  	s11 =	sadd.s32 $0x40, s11;
	(pc) =	sbr.rel .LBB2_2-.Ltmp4, $4  }
0xa9: {  	s14 =	sadd.s32 s6, s11  }
0xaa: {  	[tilespmem:s22], [sflag:$0x2] =	stream.linear.gather [hbm4b:s14+s4], $0x100, $0x38;
	[tilespmem:$0xC00] =	vst v63  }
0xab: {  	s13 =	sadd.s32 $0x2, s13;
	s12 =	sadd.s32 $0x40, s12;
	s11 =	sadd.s32 s7, s11  }
0xac: {  	[tilespmem:s23], [sflag:$0x4] =	stream.linear.gather [hbm4b:s11+s4], $0x100, $0x38;
	[tilespmem:$0xC00] =	vst v63  }
.LBB2_7:
0xad: {  	_ =	sfence.sel $0x180000  }
0xae: {  	[bflag:$0x0] =	sbarrier.arrive $0xFFFF  }
0xaf: {  	_ =	strace $0x90000047  }
0xb0: {  	s0 =	stileid.u32;
	[bflag:$0x2] =	sbarrier.arrive $0xFFFF  }
0xb1: {  	p0 =	sne.s32 s0, $0x0;
	s0 =	rddreg [dreg:$0x5]  }
0xb2: {  	s0 =	sadd.s32 @!p0 $0x100000, s0  }
0xb3: {  	[sflag:s0] =	ssyncadd.tile.s32 @!p0 $0x1;
	_ =	shalt  }
.Lfunc_end2:
_tile_overlayer_lowered:
.L_overlay_start_2:
0xb4: {  	(tag) =	ssettag $0x2  }
0xb5: {  	s0 =	rddreg [dreg:$0x0];
	s2 =	stileid.u32  }
0xb6: {  	s1 =	rddreg [dreg:$0x1];
	p0 =	sne.s32 s2, $0x0  }
0xb7: {  	s3 =	rddreg [dreg:$0x2];
	[bflag:$0x3] =	sbarrier.arrive $0xFFFF;
	s2 =	simm.s32 @!p0 $0x1C06  }
0xb8: {  	[timem:s3], [sflag:s2] =	dma.local @!p0 [hbm:s0], s1  }
0xb9: {  	s0 =	simm.s32 @!p0 $0x6  }
0xba: {  	_ =	swait.ge @!p0 [sflag:s0], s1  }
0xbb: {  	s1 =	ssub.s32 @!p0 $0x0, s1;
	[sflag:s0] =	ssyncset.done @!p0 $0x0  }
0xbc: {  	[sflag:s0] =	ssyncadd.s32 @!p0 s1  }
0xbd: {  	[bflag:$0x3] =	sbarrier.arrive $0xFFFF  }
0xbe: {  	_ =	shalt  }

</sc_bundles>
